<compile_context>
chip_gen: v7x
topology: tpu7x:2x2x1
jax: 0.10.2.dev20260603
libtpu: 0.0.44.dev20260713+nightly
codegen_flags: <defaults>
</compile_context>

<pallas_src>
import functools

import jax
import jax.numpy as jnp
from jax import lax
from jax.experimental import pallas as pl
from jax.experimental.pallas import tpu as pltpu
from jax.experimental.pallas import tpu_sc as plsc

_D = 128
_E = 320000
_T = 64
_SUM_ROW = 60
_ZERO_ROW = 61

_L = 16
_NW = 32
_PER_W = _E // _NW

_G = 40
_SLOTS = 5
_SET = _SLOTS * _G
_SUPER = 2 * _SET
_NSUPER = _PER_W // _SUPER


def _sc_kernel(ea, table0, table1, table2, summary):
    info = plsc.get_sparse_core_info()
    nc = info.num_cores
    mesh = plsc.VectorSubcoreMesh(core_axis_name="c", subcore_axis_name="s")

    @functools.partial(
        pl.kernel,
        out_type=jax.ShapeDtypeStruct((_E, _D), jnp.float32),
        mesh=mesh,
        scratch_types=[
            pltpu.VMEM((_PER_W,), jnp.int32),
            pltpu.VMEM((_PER_W,), jnp.int32),
            pltpu.VMEM((_PER_W,), jnp.int32),
            pltpu.VMEM((_PER_W,), jnp.int32),
            pltpu.VMEM((_SUPER, _D), jnp.float32),
            pltpu.VMEM((_T, _D), jnp.float32),
            pltpu.VMEM((5, _D), jnp.float32),
            pltpu.VMEM((6, _D), jnp.float32),
            pltpu.VMEM((2, _D), jnp.float32),
            pltpu.VMEM((1, _D), jnp.float32),
            pltpu.VMEM_SHARED((_T, _D), jnp.float32),
            pltpu.SemaphoreType.DMA,
            pltpu.SemaphoreType.DMA,
            pltpu.SemaphoreType.DMA,
            pltpu.SemaphoreType.DMA,
        ],
    )
    def body(ea_hbm, t0_hbm, t1_hbm, t2_hbm, su_hbm, out_hbm,
             col0, col1, col2, idxf, rows, combv, t0v, t1v, t2v, suv,
             comb_sh, gsA, gsB, wsA, wsB):
        sid = lax.axis_index("s")
        wid = sid * nc + lax.axis_index("c")
        base = wid * _PER_W

        ccol = pltpu.make_async_copy(ea_hbm.at[pl.ds(base, _PER_W)],
                                     col0, wsA)
        ccol.start()
        ccol1 = pltpu.make_async_copy(ea_hbm.at[pl.ds(_E + base, _PER_W)],
                                      col1, wsA)
        ccol1.start()
        ccol2 = pltpu.make_async_copy(ea_hbm.at[pl.ds(2 * _E + base, _PER_W)],
                                      col2, wsA)
        ccol2.start()

        @pl.when(sid == 0)
        def _():
            pltpu.sync_copy(t0_hbm, t0v)
            pltpu.sync_copy(t1_hbm, t1v)
            pltpu.sync_copy(t2_hbm, t2v)
            pltpu.sync_copy(su_hbm, suv)

            def combo(r, carry):
                i0 = r // 12
                i1 = (r // 2) % 6
                i2 = r % 2
                for c in range(_D // _L):
                    sl = pl.ds(c * _L, _L)
                    combv[r, sl] = t0v[i0, sl] + t1v[i1, sl] + t2v[i2, sl]
                return carry

            lax.fori_loop(0, 60, combo, 0)
            zeros = jnp.zeros((_L,), jnp.float32)
            for c in range(_D // _L):
                sl = pl.ds(c * _L, _L)
                combv[_SUM_ROW, sl] = suv[0, sl]
                combv[_ZERO_ROW, sl] = zeros
                combv[_ZERO_ROW + 1, sl] = zeros
                combv[_ZERO_ROW + 2, sl] = zeros
            pltpu.sync_copy(combv, comb_sh)

        ccol.wait()
        ccol1.wait()
        ccol2.wait()

        def compute_idx(t):
            def grp(r, carry):
                o = t * _SUPER + r * _L
                a = col0[pl.ds(o, _L)]
                b = col1[pl.ds(o, _L)]
                c = col2[pl.ds(o, _L)]
                s = a + b + c
                idx_n = (jnp.clip(a, 0, 4) * 12 + jnp.clip(b, 0, 5) * 2
                         + jnp.clip(c, 0, 1))
                idxf[pl.ds(o, _L)] = jnp.where(
                    s >= 0, idx_n,
                    jnp.where(s == -3,
                              jnp.full((_L,), _SUM_ROW, jnp.int32),
                              jnp.full((_L,), _ZERO_ROW, jnp.int32)))
                return carry

            lax.fori_loop(0, _SUPER // _L, grp, 0)

        def g_copy(set_off, row0, fire):
            for b in range(_SLOTS):
                src = comb_sh.at[idxf.at[pl.ds((row0 - base) + b * _G, _G)]]
                dst = rows.at[pl.ds(set_off + b * _G, _G)]
                sem = gsA if set_off == 0 else gsB
                cp = pltpu.make_async_copy(src, dst, sem)
                cp.start() if fire else cp.wait()

        def w_copy(set_off, row0, fire):
            sem = wsA if set_off == 0 else wsB
            cp = pltpu.make_async_copy(
                rows.at[pl.ds(set_off, _SET)],
                out_hbm.at[pl.ds(row0, _SET)], sem)
            cp.start() if fire else cp.wait()

        def superchunk(t, first=False, last=False):
            rA = base + t * _SUPER
            rB = rA + _SET
            g_copy(0, rA, fire=False)
            if not first:
                w_copy(_SET, rB, fire=False)
            g_copy(_SET, rB, fire=True)
            w_copy(0, rA, fire=True)
            if not last:
                compute_idx(t + 1)
            w_copy(0, rA, fire=False)
            if not last:
                g_copy(0, rA + _SUPER, fire=True)
            g_copy(_SET, rB, fire=False)
            w_copy(_SET, rB, fire=True)
            if last:
                w_copy(_SET, rB, fire=False)

        compute_idx(0)
        plsc.subcore_barrier()
        g_copy(0, base, fire=True)

        superchunk(0, first=True)

        def mid(t, carry):
            superchunk(t)
            return carry

        lax.fori_loop(1, _NSUPER - 1, mid, 0)
        superchunk(_NSUPER - 1, last=True)

    return body(ea, table0, table1, table2, summary)


def kernel(edge_attr, table0, table1, table2, summary):
    ea_t = edge_attr.astype(jnp.int32).T.reshape(-1)
    return _sc_kernel(ea_t, table0, table1, table2, summary)

# --- scband reference (transcript-rebuilt; emitter-appended) ---
"""Pipeline reference for scband-modified-bond-encoder-13855564497177 (READ-ONLY COPY).

The authoritative reference and input builder live on the scoring server;
editing this copy changes nothing except your own understanding.
"""

import jax, jax.numpy as jnp
import numpy as np

BOND_DIMS = [5, 6, 2]
EMB_DIM = 128
E = 320000


def _xavier_uniform(key, shape):
    fan_in, fan_out = shape[0], shape[1]
    limit = float(np.sqrt(6.0 / (fan_in + fan_out)))
    return jax.random.uniform(key, shape, dtype=jnp.float32, minval=-limit, maxval=limit)


def setup_inputs(seed: int = 0) -> dict:
    key = jax.random.key(seed)
    k0, k1, k2, k3, k4 = jax.random.split(key, 5)
    # edge_attr values in [0, 2): valid indices for all three tables (dims 5, 6, 2)
    edge_attr = jax.random.randint(k0, (E, 3), 0, 2, dtype=jnp.int32)
    table0 = _xavier_uniform(k1, (BOND_DIMS[0], EMB_DIM))
    table1 = _xavier_uniform(k2, (BOND_DIMS[1], EMB_DIM))
    table2 = _xavier_uniform(k3, (BOND_DIMS[2], EMB_DIM))
    summary = _xavier_uniform(k4, (1, EMB_DIM))
    return {"edge_attr": edge_attr, "table0": table0, "table1": table1,
            "table2": table2, "summary": summary}


def reference(edge_attr, table0, table1, table2, summary):
    n_feat = edge_attr.shape[1]
    row_sum = edge_attr.sum(axis=1)
    mask = row_sum >= 0
    mask_summary = row_sum == -n_feat
    mask_k_hops = row_sum == -2 * n_feat
    # clip so special-coded (negative) rows still produce in-range gathers;
    # their contributions are masked out below
    i0 = jnp.clip(edge_attr[:, 0], 0, BOND_DIMS[0] - 1)
    i1 = jnp.clip(edge_attr[:, 1], 0, BOND_DIMS[1] - 1)
    i2 = jnp.clip(edge_attr[:, 2], 0, BOND_DIMS[2] - 1)
    bond_embedding = jnp.take(table0, i0, axis=0) \
                   + jnp.take(table1, i1, axis=0) \
                   + jnp.take(table2, i2, axis=0)
    out = jnp.where(mask[:, None], bond_embedding, 0.0)
    out = jnp.where(mask_summary[:, None], summary, out)
    out = jnp.where(mask_k_hops[:, None], 0.0, out)
    # dropout is identity in eval mode
    return out

if __name__ == "__main__":
    import jax
    _d = setup_inputs()
    print(jax.jit(kernel)(*tuple(_d.values())))

</pallas_src>

<mosaic_0001>
#map = affine_map<(d0, d1) -> (0)>
#map1 = affine_map<(d0, d1) -> (0, 0)>
module attributes {stable_mosaic.version = 14 : i64} {
  func.func @body(%arg0: i32, %arg1: i32, %arg2: memref<960000xi32, #tpu.memory_space<hbm>>, %arg3: memref<5x128xf32, #tpu.memory_space<hbm>>, %arg4: memref<6x128xf32, #tpu.memory_space<hbm>>, %arg5: memref<2x128xf32, #tpu.memory_space<hbm>>, %arg6: memref<1x128xf32, #tpu.memory_space<hbm>>, %arg7: memref<320000x128xf32, #tpu.memory_space<hbm>>, %arg8: memref<10000xi32, #tpu.memory_space<vmem>>, %arg9: memref<10000xi32, #tpu.memory_space<vmem>>, %arg10: memref<10000xi32, #tpu.memory_space<vmem>>, %arg11: memref<10000xi32, #tpu.memory_space<vmem>>, %arg12: memref<400x128xf32, #tpu.memory_space<vmem>>, %arg13: memref<64x128xf32, #tpu.memory_space<vmem>>, %arg14: memref<5x128xf32, #tpu.memory_space<vmem>>, %arg15: memref<6x128xf32, #tpu.memory_space<vmem>>, %arg16: memref<2x128xf32, #tpu.memory_space<vmem>>, %arg17: memref<1x128xf32, #tpu.memory_space<vmem>>, %arg18: memref<64x128xf32, #tpu.memory_space<vmem_shared>>, %arg19: memref<!tpu.dma_semaphore, #tpu.memory_space<semaphore_mem>>, %arg20: memref<!tpu.dma_semaphore, #tpu.memory_space<semaphore_mem>>, %arg21: memref<!tpu.dma_semaphore, #tpu.memory_space<semaphore_mem>>, %arg22: memref<!tpu.dma_semaphore, #tpu.memory_space<semaphore_mem>>) attributes {dimension_semantics = [#tpu.dimension_semantics<core_parallel>, #tpu.dimension_semantics<subcore_parallel>], iteration_bounds = array<i64: 2, 16>, scalar_prefetch = 0 : i64, scratch_operands = 15 : i64, tpu.core_type = #tpu.core_type<sc_vector_subcore>, window_params = [{transform_indices = #map}, {transform_indices = #map1}, {transform_indices = #map1}, {transform_indices = #map1}, {transform_indices = #map1}, {transform_indices = #map1}]} {
    %mul3A = arith.constant 2 : i32
    %mul3A_0 = arith.muli %arg1, %mul3A : i32
    %add3A = arith.addi %mul3A_0, %arg0 : i32
    %mul3A_1 = arith.constant 10000 : i32
    %mul3A_2 = arith.muli %add3A, %mul3A_1 : i32
    %dma_start3A = tpu.memref_slice %arg2[%mul3A_2] : memref<960000xi32, #tpu.memory_space<hbm>> -> memref<10000xi32, #tpu.memory_space<hbm>>
    %dma_start3A_3 = tpu.memref_slice %arg2[%mul3A_2] : memref<960000xi32, #tpu.memory_space<hbm>> -> memref<10000xi32, #tpu.memory_space<hbm>>
    tpu.enqueue_dma source(%dma_start3A_3 : memref<10000xi32, #tpu.memory_space<hbm>>) target(%arg8 : memref<10000xi32, #tpu.memory_space<vmem>>) target_semaphore(%arg21 : memref<!tpu.dma_semaphore, #tpu.memory_space<semaphore_mem>>)
    %add3A_4 = arith.constant 320000 : i32
    %add3A_5 = arith.addi %add3A_4, %mul3A_2 : i32
    %dma_start3A_6 = tpu.memref_slice %arg2[%add3A_5] : memref<960000xi32, #tpu.memory_space<hbm>> -> memref<10000xi32, #tpu.memory_space<hbm>>
    %dma_start3A_7 = tpu.memref_slice %arg2[%add3A_5] : memref<960000xi32, #tpu.memory_space<hbm>> -> memref<10000xi32, #tpu.memory_space<hbm>>
    tpu.enqueue_dma source(%dma_start3A_7 : memref<10000xi32, #tpu.memory_space<hbm>>) target(%arg9 : memref<10000xi32, #tpu.memory_space<vmem>>) target_semaphore(%arg21 : memref<!tpu.dma_semaphore, #tpu.memory_space<semaphore_mem>>)
    %add3A_8 = arith.constant 640000 : i32
    %add3A_9 = arith.addi %add3A_8, %mul3A_2 : i32
    %dma_start3A_10 = tpu.memref_slice %arg2[%add3A_9] : memref<960000xi32, #tpu.memory_space<hbm>> -> memref<10000xi32, #tpu.memory_space<hbm>>
    %dma_start3A_11 = tpu.memref_slice %arg2[%add3A_9] : memref<960000xi32, #tpu.memory_space<hbm>> -> memref<10000xi32, #tpu.memory_space<hbm>>
    tpu.enqueue_dma source(%dma_start3A_11 : memref<10000xi32, #tpu.memory_space<hbm>>) target(%arg10 : memref<10000xi32, #tpu.memory_space<vmem>>) target_semaphore(%arg21 : memref<!tpu.dma_semaphore, #tpu.memory_space<semaphore_mem>>)
    %eq3A = arith.constant 0 : i32
    %eq3A_12 = arith.cmpi eq, %arg1, %eq3A : i32
    %convert_element_type3A = arith.extui %eq3A_12 : i1 to i32
    %cond3A = arith.constant 0 : i32
    %cond3A_13 = arith.cmpi ne, %convert_element_type3A, %cond3A : i32
    scf.if %cond3A_13 {
      "tpu.region"() ({
        %run_scoped3A = tpu.sem_alloc : memref<!tpu.dma_semaphore, #tpu.memory_space<semaphore_mem>>
        tpu.enqueue_dma source(%arg3 : memref<5x128xf32, #tpu.memory_space<hbm>>) target(%arg14 : memref<5x128xf32, #tpu.memory_space<vmem>>) target_semaphore(%run_scoped3A : memref<!tpu.dma_semaphore, #tpu.memory_space<semaphore_mem>>)
        tpu.wait_dma2 semaphore(%run_scoped3A : memref<!tpu.dma_semaphore, #tpu.memory_space<semaphore_mem>>) src(%arg3 : memref<5x128xf32, #tpu.memory_space<hbm>>) dst(%arg14 : memref<5x128xf32, #tpu.memory_space<vmem>>)
        tpu.yield
      }) : () -> ()
      "tpu.region"() ({
        %run_scoped3A = tpu.sem_alloc : memref<!tpu.dma_semaphore, #tpu.memory_space<semaphore_mem>>
        tpu.enqueue_dma source(%arg4 : memref<6x128xf32, #tpu.memory_space<hbm>>) target(%arg15 : memref<6x128xf32, #tpu.memory_space<vmem>>) target_semaphore(%run_scoped3A : memref<!tpu.dma_semaphore, #tpu.memory_space<semaphore_mem>>)
        tpu.wait_dma2 semaphore(%run_scoped3A : memref<!tpu.dma_semaphore, #tpu.memory_space<semaphore_mem>>) src(%arg4 : memref<6x128xf32, #tpu.memory_space<hbm>>) dst(%arg15 : memref<6x128xf32, #tpu.memory_space<vmem>>)
        tpu.yield
      }) : () -> ()
      "tpu.region"() ({
        %run_scoped3A = tpu.sem_alloc : memref<!tpu.dma_semaphore, #tpu.memory_space<semaphore_mem>>
        tpu.enqueue_dma source(%arg5 : memref<2x128xf32, #tpu.memory_space<hbm>>) target(%arg16 : memref<2x128xf32, #tpu.memory_space<vmem>>) target_semaphore(%run_scoped3A : memref<!tpu.dma_semaphore, #tpu.memory_space<semaphore_mem>>)
        tpu.wait_dma2 semaphore(%run_scoped3A : memref<!tpu.dma_semaphore, #tpu.memory_space<semaphore_mem>>) src(%arg5 : memref<2x128xf32, #tpu.memory_space<hbm>>) dst(%arg16 : memref<2x128xf32, #tpu.memory_space<vmem>>)
        tpu.yield
      }) : () -> ()
      "tpu.region"() ({
        %run_scoped3A = tpu.sem_alloc : memref<!tpu.dma_semaphore, #tpu.memory_space<semaphore_mem>>
        tpu.enqueue_dma source(%arg6 : memref<1x128xf32, #tpu.memory_space<hbm>>) target(%arg17 : memref<1x128xf32, #tpu.memory_space<vmem>>) target_semaphore(%run_scoped3A : memref<!tpu.dma_semaphore, #tpu.memory_space<semaphore_mem>>)
        tpu.wait_dma2 semaphore(%run_scoped3A : memref<!tpu.dma_semaphore, #tpu.memory_space<semaphore_mem>>) src(%arg6 : memref<1x128xf32, #tpu.memory_space<hbm>>) dst(%arg17 : memref<1x128xf32, #tpu.memory_space<vmem>>)
        tpu.yield
      }) : () -> ()
      %scan3A_525 = arith.constant 0 : i32
      %scan3A_526 = arith.constant 0 : i32
      %scan3A_527 = arith.constant 60 : i32
      %scan3A_528 = arith.addi %scan3A_526, %scan3A_527 : i32
      %scan3A_529 = arith.constant 1 : i32
      scf.for %scan3A_762 = %scan3A_526 to %scan3A_528 step %scan3A_529  : i32 {
        %jit3A = arith.constant 12 : i32
        %div3A = arith.divsi %scan3A_762, %jit3A : i32
        %sign3A = arith.constant 0 : i32
        %sign3A_763 = arith.cmpi sgt, %scan3A_762, %sign3A : i32
        %sign3A_764 = arith.extui %sign3A_763 : i1 to i32
        %sign3A_765 = arith.constant 0 : i32
        %sign3A_766 = arith.cmpi slt, %scan3A_762, %sign3A_765 : i32
        %sign3A_767 = arith.extui %sign3A_766 : i1 to i32
        %sign3A_768 = arith.subi %sign3A_764, %sign3A_767 : i32
        %sign3A_769 = arith.constant 0 : i32
        %sign3A_770 = arith.cmpi sgt, %jit3A, %sign3A_769 : i32
        %sign3A_771 = arith.extui %sign3A_770 : i1 to i32
        %sign3A_772 = arith.constant 0 : i32
        %sign3A_773 = arith.cmpi slt, %jit3A, %sign3A_772 : i32
        %sign3A_774 = arith.extui %sign3A_773 : i1 to i32
        %sign3A_775 = arith.subi %sign3A_771, %sign3A_774 : i32
        %ne3A = arith.cmpi ne, %sign3A_768, %sign3A_775 : i32
        %rem3A = arith.remsi %scan3A_762, %jit3A : i32
        %ne3A_776 = arith.constant 0 : i32
        %ne3A_777 = arith.cmpi ne, %rem3A, %ne3A_776 : i32
        %and3A = arith.andi %ne3A, %ne3A_777 : i1
        %sub3A_778 = arith.constant 1 : i32
        %sub3A_779 = arith.subi %div3A, %sub3A_778 : i32
        %select_n3A = arith.select %and3A, %sub3A_779, %div3A : i32
        %jit3A_780 = arith.constant 2 : i32
        %div3A_781 = arith.divsi %scan3A_762, %jit3A_780 : i32
        %sign3A_782 = arith.constant 0 : i32
        %sign3A_783 = arith.cmpi sgt, %scan3A_762, %sign3A_782 : i32
        %sign3A_784 = arith.extui %sign3A_783 : i1 to i32
        %sign3A_785 = arith.constant 0 : i32
        %sign3A_786 = arith.cmpi slt, %scan3A_762, %sign3A_785 : i32
        %sign3A_787 = arith.extui %sign3A_786 : i1 to i32
        %sign3A_788 = arith.subi %sign3A_784, %sign3A_787 : i32
        %sign3A_789 = arith.constant 0 : i32
        %sign3A_790 = arith.cmpi sgt, %jit3A_780, %sign3A_789 : i32
        %sign3A_791 = arith.extui %sign3A_790 : i1 to i32
        %sign3A_792 = arith.constant 0 : i32
        %sign3A_793 = arith.cmpi slt, %jit3A_780, %sign3A_792 : i32
        %sign3A_794 = arith.extui %sign3A_793 : i1 to i32
        %sign3A_795 = arith.subi %sign3A_791, %sign3A_794 : i32
        %ne3A_796 = arith.cmpi ne, %sign3A_788, %sign3A_795 : i32
        %rem3A_797 = arith.remsi %scan3A_762, %jit3A_780 : i32
        %ne3A_798 = arith.constant 0 : i32
        %ne3A_799 = arith.cmpi ne, %rem3A_797, %ne3A_798 : i32
        %and3A_800 = arith.andi %ne3A_796, %ne3A_799 : i1
        %sub3A_801 = arith.constant 1 : i32
        %sub3A_802 = arith.subi %div3A_781, %sub3A_801 : i32
        %select_n3A_803 = arith.select %and3A_800, %sub3A_802, %div3A_781 : i32
        %jit3A_804 = arith.constant 6 : i32
        %eq3A_805 = arith.constant 0 : i32
        %eq3A_806 = arith.cmpi eq, %jit3A_804, %eq3A_805 : i32
        %jit3A_807 = arith.constant 1 : i32
        %select_n3A_808 = arith.select %eq3A_806, %jit3A_807, %jit3A_804 : i32
        %rem3A_809 = arith.remsi %select_n3A_803, %select_n3A_808 : i32
        %ne3A_810 = arith.constant 0 : i32
        %ne3A_811 = arith.cmpi ne, %rem3A_809, %ne3A_810 : i32
        %lt3A = arith.constant 0 : i32
        %lt3A_812 = arith.cmpi slt, %rem3A_809, %lt3A : i32
        %lt3A_813 = arith.constant 0 : i32
        %lt3A_814 = arith.cmpi slt, %select_n3A_808, %lt3A_813 : i32
        %ne3A_815 = arith.xori %lt3A_812, %lt3A_814 : i1
        %and3A_816 = arith.andi %ne3A_815, %ne3A_811 : i1
        %add3A_817 = arith.addi %rem3A_809, %select_n3A_808 : i32
        %select_n3A_818 = arith.select %and3A_816, %add3A_817, %rem3A_809 : i32
        %jit3A_819 = arith.constant 2 : i32
        %eq3A_820 = arith.constant 0 : i32
        %eq3A_821 = arith.cmpi eq, %jit3A_819, %eq3A_820 : i32
        %jit3A_822 = arith.constant 1 : i32
        %select_n3A_823 = arith.select %eq3A_821, %jit3A_822, %jit3A_819 : i32
        %rem3A_824 = arith.remsi %scan3A_762, %select_n3A_823 : i32
        %ne3A_825 = arith.constant 0 : i32
        %ne3A_826 = arith.cmpi ne, %rem3A_824, %ne3A_825 : i32
        %lt3A_827 = arith.constant 0 : i32
        %lt3A_828 = arith.cmpi slt, %rem3A_824, %lt3A_827 : i32
        %lt3A_829 = arith.constant 0 : i32
        %lt3A_830 = arith.cmpi slt, %select_n3A_823, %lt3A_829 : i32
        %ne3A_831 = arith.xori %lt3A_828, %lt3A_830 : i1
        %and3A_832 = arith.andi %ne3A_831, %ne3A_826 : i1
        %add3A_833 = arith.addi %rem3A_824, %select_n3A_823 : i32
        %select_n3A_834 = arith.select %and3A_832, %add3A_833, %rem3A_824 : i32
        %get3A_835 = arith.index_cast %select_n3A : i32 to index
        %get3A_836 = arith.constant 0 : index
        %get3A_837 = tpu.vector_load %arg14[%get3A_835, %get3A_836] {strides = array<i32>} : memref<5x128xf32, #tpu.memory_space<vmem>>, vector<1x16xf32>,
        %get3A_838 = vector.shape_cast %get3A_837 : vector<1x16xf32> to vector<16xf32>
        %get3A_839 = arith.index_cast %select_n3A_818 : i32 to index
        %get3A_840 = arith.constant 0 : index
        %get3A_841 = tpu.vector_load %arg15[%get3A_839, %get3A_840] {strides = array<i32>} : memref<6x128xf32, #tpu.memory_space<vmem>>, vector<1x16xf32>,
        %get3A_842 = vector.shape_cast %get3A_841 : vector<1x16xf32> to vector<16xf32>
        %add3A_843 = arith.addf %get3A_838, %get3A_842 : vector<16xf32>
        %get3A_844 = arith.index_cast %select_n3A_834 : i32 to index
        %get3A_845 = arith.constant 0 : index
        %get3A_846 = tpu.vector_load %arg16[%get3A_844, %get3A_845] {strides = array<i32>} : memref<2x128xf32, #tpu.memory_space<vmem>>, vector<1x16xf32>,
        %get3A_847 = vector.shape_cast %get3A_846 : vector<1x16xf32> to vector<16xf32>
        %add3A_848 = arith.addf %add3A_843, %get3A_847 : vector<16xf32>
        %swap3A_849 = arith.index_cast %scan3A_762 : i32 to index
        %swap3A_850 = arith.constant 0 : index
        %swap3A_851 = tpu.vector_load %arg13[%swap3A_849, %swap3A_850] {strides = array<i32>} : memref<64x128xf32, #tpu.memory_space<vmem>>, vector<1x16xf32>,
        %swap3A_852 = vector.shape_cast %swap3A_851 : vector<1x16xf32> to vector<16xf32>
        %swap3A_853 = vector.shape_cast %add3A_848 : vector<16xf32> to vector<1x16xf32>
        tpu.vector_store %arg13[%swap3A_849, %swap3A_850], %swap3A_853 {strides = array<i32>} : memref<64x128xf32, #tpu.memory_space<vmem>>, vector<1x16xf32>,
        %get3A_854 = arith.index_cast %select_n3A : i32 to index
        %get3A_855 = arith.constant 16 : index
        %get3A_856 = tpu.vector_load %arg14[%get3A_854, %get3A_855] {strides = array<i32>} : memref<5x128xf32, #tpu.memory_space<vmem>>, vector<1x16xf32>,
        %get3A_857 = vector.shape_cast %get3A_856 : vector<1x16xf32> to vector<16xf32>
        %get3A_858 = arith.index_cast %select_n3A_818 : i32 to index
        %get3A_859 = arith.constant 16 : index
        %get3A_860 = tpu.vector_load %arg15[%get3A_858, %get3A_859] {strides = array<i32>} : memref<6x128xf32, #tpu.memory_space<vmem>>, vector<1x16xf32>,
        %get3A_861 = vector.shape_cast %get3A_860 : vector<1x16xf32> to vector<16xf32>
        %add3A_862 = arith.addf %get3A_857, %get3A_861 : vector<16xf32>
        %get3A_863 = arith.index_cast %select_n3A_834 : i32 to index
        %get3A_864 = arith.constant 16 : index
        %get3A_865 = tpu.vector_load %arg16[%get3A_863, %get3A_864] {strides = array<i32>} : memref<2x128xf32, #tpu.memory_space<vmem>>, vector<1x16xf32>,
        %get3A_866 = vector.shape_cast %get3A_865 : vector<1x16xf32> to vector<16xf32>
        %add3A_867 = arith.addf %add3A_862, %get3A_866 : vector<16xf32>
        %swap3A_868 = arith.index_cast %scan3A_762 : i32 to index
        %swap3A_869 = arith.constant 16 : index
        %swap3A_870 = tpu.vector_load %arg13[%swap3A_868, %swap3A_869] {strides = array<i32>} : memref<64x128xf32, #tpu.memory_space<vmem>>, vector<1x16xf32>,
        %swap3A_871 = vector.shape_cast %swap3A_870 : vector<1x16xf32> to vector<16xf32>
        %swap3A_872 = vector.shape_cast %add3A_867 : vector<16xf32> to vector<1x16xf32>
        tpu.vector_store %arg13[%swap3A_868, %swap3A_869], %swap3A_872 {strides = array<i32>} : memref<64x128xf32, #tpu.memory_space<vmem>>, vector<1x16xf32>,
        %get3A_873 = arith.index_cast %select_n3A : i32 to index
        %get3A_874 = arith.constant 32 : index
        %get3A_875 = tpu.vector_load %arg14[%get3A_873, %get3A_874] {strides = array<i32>} : memref<5x128xf32, #tpu.memory_space<vmem>>, vector<1x16xf32>,
        %get3A_876 = vector.shape_cast %get3A_875 : vector<1x16xf32> to vector<16xf32>
        %get3A_877 = arith.index_cast %select_n3A_818 : i32 to index
        %get3A_878 = arith.constant 32 : index
        %get3A_879 = tpu.vector_load %arg15[%get3A_877, %get3A_878] {strides = array<i32>} : memref<6x128xf32, #tpu.memory_space<vmem>>, vector<1x16xf32>,
        %get3A_880 = vector.shape_cast %get3A_879 : vector<1x16xf32> to vector<16xf32>
        %add3A_881 = arith.addf %get3A_876, %get3A_880 : vector<16xf32>
        %get3A_882 = arith.index_cast %select_n3A_834 : i32 to index
        %get3A_883 = arith.constant 32 : index
        %get3A_884 = tpu.vector_load %arg16[%get3A_882, %get3A_883] {strides = array<i32>} : memref<2x128xf32, #tpu.memory_space<vmem>>, vector<1x16xf32>,
        %get3A_885 = vector.shape_cast %get3A_884 : vector<1x16xf32> to vector<16xf32>
        %add3A_886 = arith.addf %add3A_881, %get3A_885 : vector<16xf32>
        %swap3A_887 = arith.index_cast %scan3A_762 : i32 to index
        %swap3A_888 = arith.constant 32 : index
        %swap3A_889 = tpu.vector_load %arg13[%swap3A_887, %swap3A_888] {strides = array<i32>} : memref<64x128xf32, #tpu.memory_space<vmem>>, vector<1x16xf32>,
        %swap3A_890 = vector.shape_cast %swap3A_889 : vector<1x16xf32> to vector<16xf32>
        %swap3A_891 = vector.shape_cast %add3A_886 : vector<16xf32> to vector<1x16xf32>
        tpu.vector_store %arg13[%swap3A_887, %swap3A_888], %swap3A_891 {strides = array<i32>} : memref<64x128xf32, #tpu.memory_space<vmem>>, vector<1x16xf32>,
        %get3A_892 = arith.index_cast %select_n3A : i32 to index
        %get3A_893 = arith.constant 48 : index
        %get3A_894 = tpu.vector_load %arg14[%get3A_892, %get3A_893] {strides = array<i32>} : memref<5x128xf32, #tpu.memory_space<vmem>>, vector<1x16xf32>,
        %get3A_895 = vector.shape_cast %get3A_894 : vector<1x16xf32> to vector<16xf32>
        %get3A_896 = arith.index_cast %select_n3A_818 : i32 to index
        %get3A_897 = arith.constant 48 : index
        %get3A_898 = tpu.vector_load %arg15[%get3A_896, %get3A_897] {strides = array<i32>} : memref<6x128xf32, #tpu.memory_space<vmem>>, vector<1x16xf32>,
        %get3A_899 = vector.shape_cast %get3A_898 : vector<1x16xf32> to vector<16xf32>
        %add3A_900 = arith.addf %get3A_895, %get3A_899 : vector<16xf32>
        %get3A_901 = arith.index_cast %select_n3A_834 : i32 to index
        %get3A_902 = arith.constant 48 : index
        %get3A_903 = tpu.vector_load %arg16[%get3A_901, %get3A_902] {strides = array<i32>} : memref<2x128xf32, #tpu.memory_space<vmem>>, vector<1x16xf32>,
        %get3A_904 = vector.shape_cast %get3A_903 : vector<1x16xf32> to vector<16xf32>
        %add3A_905 = arith.addf %add3A_900, %get3A_904 : vector<16xf32>
        %swap3A_906 = arith.index_cast %scan3A_762 : i32 to index
        %swap3A_907 = arith.constant 48 : index
        %swap3A_908 = tpu.vector_load %arg13[%swap3A_906, %swap3A_907] {strides = array<i32>} : memref<64x128xf32, #tpu.memory_space<vmem>>, vector<1x16xf32>,
        %swap3A_909 = vector.shape_cast %swap3A_908 : vector<1x16xf32> to vector<16xf32>
        %swap3A_910 = vector.shape_cast %add3A_905 : vector<16xf32> to vector<1x16xf32>
        tpu.vector_store %arg13[%swap3A_906, %swap3A_907], %swap3A_910 {strides = array<i32>} : memref<64x128xf32, #tpu.memory_space<vmem>>, vector<1x16xf32>,
        %get3A_911 = arith.index_cast %select_n3A : i32 to index
        %get3A_912 = arith.constant 64 : index
        %get3A_913 = tpu.vector_load %arg14[%get3A_911, %get3A_912] {strides = array<i32>} : memref<5x128xf32, #tpu.memory_space<vmem>>, vector<1x16xf32>,
        %get3A_914 = vector.shape_cast %get3A_913 : vector<1x16xf32> to vector<16xf32>
        %get3A_915 = arith.index_cast %select_n3A_818 : i32 to index
        %get3A_916 = arith.constant 64 : index
        %get3A_917 = tpu.vector_load %arg15[%get3A_915, %get3A_916] {strides = array<i32>} : memref<6x128xf32, #tpu.memory_space<vmem>>, vector<1x16xf32>,
        %get3A_918 = vector.shape_cast %get3A_917 : vector<1x16xf32> to vector<16xf32>
        %add3A_919 = arith.addf %get3A_914, %get3A_918 : vector<16xf32>
        %get3A_920 = arith.index_cast %select_n3A_834 : i32 to index
        %get3A_921 = arith.constant 64 : index
        %get3A_922 = tpu.vector_load %arg16[%get3A_920, %get3A_921] {strides = array<i32>} : memref<2x128xf32, #tpu.memory_space<vmem>>, vector<1x16xf32>,
        %get3A_923 = vector.shape_cast %get3A_922 : vector<1x16xf32> to vector<16xf32>
        %add3A_924 = arith.addf %add3A_919, %get3A_923 : vector<16xf32>
        %swap3A_925 = arith.index_cast %scan3A_762 : i32 to index
        %swap3A_926 = arith.constant 64 : index
        %swap3A_927 = tpu.vector_load %arg13[%swap3A_925, %swap3A_926] {strides = array<i32>} : memref<64x128xf32, #tpu.memory_space<vmem>>, vector<1x16xf32>,
        %swap3A_928 = vector.shape_cast %swap3A_927 : vector<1x16xf32> to vector<16xf32>
        %swap3A_929 = vector.shape_cast %add3A_924 : vector<16xf32> to vector<1x16xf32>
        tpu.vector_store %arg13[%swap3A_925, %swap3A_926], %swap3A_929 {strides = array<i32>} : memref<64x128xf32, #tpu.memory_space<vmem>>, vector<1x16xf32>,
        %get3A_930 = arith.index_cast %select_n3A : i32 to index
        %get3A_931 = arith.constant 80 : index
        %get3A_932 = tpu.vector_load %arg14[%get3A_930, %get3A_931] {strides = array<i32>} : memref<5x128xf32, #tpu.memory_space<vmem>>, vector<1x16xf32>,
        %get3A_933 = vector.shape_cast %get3A_932 : vector<1x16xf32> to vector<16xf32>
        %get3A_934 = arith.index_cast %select_n3A_818 : i32 to index
        %get3A_935 = arith.constant 80 : index
        %get3A_936 = tpu.vector_load %arg15[%get3A_934, %get3A_935] {strides = array<i32>} : memref<6x128xf32, #tpu.memory_space<vmem>>, vector<1x16xf32>,
        %get3A_937 = vector.shape_cast %get3A_936 : vector<1x16xf32> to vector<16xf32>
        %add3A_938 = arith.addf %get3A_933, %get3A_937 : vector<16xf32>
        %get3A_939 = arith.index_cast %select_n3A_834 : i32 to index
        %get3A_940 = arith.constant 80 : index
        %get3A_941 = tpu.vector_load %arg16[%get3A_939, %get3A_940] {strides = array<i32>} : memref<2x128xf32, #tpu.memory_space<vmem>>, vector<1x16xf32>,
        %get3A_942 = vector.shape_cast %get3A_941 : vector<1x16xf32> to vector<16xf32>
        %add3A_943 = arith.addf %add3A_938, %get3A_942 : vector<16xf32>
        %swap3A_944 = arith.index_cast %scan3A_762 : i32 to index
        %swap3A_945 = arith.constant 80 : index
        %swap3A_946 = tpu.vector_load %arg13[%swap3A_944, %swap3A_945] {strides = array<i32>} : memref<64x128xf32, #tpu.memory_space<vmem>>, vector<1x16xf32>,
        %swap3A_947 = vector.shape_cast %swap3A_946 : vector<1x16xf32> to vector<16xf32>
        %swap3A_948 = vector.shape_cast %add3A_943 : vector<16xf32> to vector<1x16xf32>
        tpu.vector_store %arg13[%swap3A_944, %swap3A_945], %swap3A_948 {strides = array<i32>} : memref<64x128xf32, #tpu.memory_space<vmem>>, vector<1x16xf32>,
        %get3A_949 = arith.index_cast %select_n3A : i32 to index
        %get3A_950 = arith.constant 96 : index
        %get3A_951 = tpu.vector_load %arg14[%get3A_949, %get3A_950] {strides = array<i32>} : memref<5x128xf32, #tpu.memory_space<vmem>>, vector<1x16xf32>,
        %get3A_952 = vector.shape_cast %get3A_951 : vector<1x16xf32> to vector<16xf32>
        %get3A_953 = arith.index_cast %select_n3A_818 : i32 to index
        %get3A_954 = arith.constant 96 : index
        %get3A_955 = tpu.vector_load %arg15[%get3A_953, %get3A_954] {strides = array<i32>} : memref<6x128xf32, #tpu.memory_space<vmem>>, vector<1x16xf32>,
        %get3A_956 = vector.shape_cast %get3A_955 : vector<1x16xf32> to vector<16xf32>
        %add3A_957 = arith.addf %get3A_952, %get3A_956 : vector<16xf32>
        %get3A_958 = arith.index_cast %select_n3A_834 : i32 to index
        %get3A_959 = arith.constant 96 : index
        %get3A_960 = tpu.vector_load %arg16[%get3A_958, %get3A_959] {strides = array<i32>} : memref<2x128xf32, #tpu.memory_space<vmem>>, vector<1x16xf32>,
        %get3A_961 = vector.shape_cast %get3A_960 : vector<1x16xf32> to vector<16xf32>
        %add3A_962 = arith.addf %add3A_957, %get3A_961 : vector<16xf32>
        %swap3A_963 = arith.index_cast %scan3A_762 : i32 to index
        %swap3A_964 = arith.constant 96 : index
        %swap3A_965 = tpu.vector_load %arg13[%swap3A_963, %swap3A_964] {strides = array<i32>} : memref<64x128xf32, #tpu.memory_space<vmem>>, vector<1x16xf32>,
        %swap3A_966 = vector.shape_cast %swap3A_965 : vector<1x16xf32> to vector<16xf32>
        %swap3A_967 = vector.shape_cast %add3A_962 : vector<16xf32> to vector<1x16xf32>
        tpu.vector_store %arg13[%swap3A_963, %swap3A_964], %swap3A_967 {strides = array<i32>} : memref<64x128xf32, #tpu.memory_space<vmem>>, vector<1x16xf32>,
        %get3A_968 = arith.index_cast %select_n3A : i32 to index
        %get3A_969 = arith.constant 112 : index
        %get3A_970 = tpu.vector_load %arg14[%get3A_968, %get3A_969] {strides = array<i32>} : memref<5x128xf32, #tpu.memory_space<vmem>>, vector<1x16xf32>,
        %get3A_971 = vector.shape_cast %get3A_970 : vector<1x16xf32> to vector<16xf32>
        %get3A_972 = arith.index_cast %select_n3A_818 : i32 to index
        %get3A_973 = arith.constant 112 : index
        %get3A_974 = tpu.vector_load %arg15[%get3A_972, %get3A_973] {strides = array<i32>} : memref<6x128xf32, #tpu.memory_space<vmem>>, vector<1x16xf32>,
        %get3A_975 = vector.shape_cast %get3A_974 : vector<1x16xf32> to vector<16xf32>
        %add3A_976 = arith.addf %get3A_971, %get3A_975 : vector<16xf32>
        %get3A_977 = arith.index_cast %select_n3A_834 : i32 to index
        %get3A_978 = arith.constant 112 : index
        %get3A_979 = tpu.vector_load %arg16[%get3A_977, %get3A_978] {strides = array<i32>} : memref<2x128xf32, #tpu.memory_space<vmem>>, vector<1x16xf32>,
        %get3A_980 = vector.shape_cast %get3A_979 : vector<1x16xf32> to vector<16xf32>
        %add3A_981 = arith.addf %add3A_976, %get3A_980 : vector<16xf32>
        %swap3A_982 = arith.index_cast %scan3A_762 : i32 to index
        %swap3A_983 = arith.constant 112 : index
        %swap3A_984 = tpu.vector_load %arg13[%swap3A_982, %swap3A_983] {strides = array<i32>} : memref<64x128xf32, #tpu.memory_space<vmem>>, vector<1x16xf32>,
        %swap3A_985 = vector.shape_cast %swap3A_984 : vector<1x16xf32> to vector<16xf32>
        %swap3A_986 = vector.shape_cast %add3A_981 : vector<16xf32> to vector<1x16xf32>
        tpu.vector_store %arg13[%swap3A_982, %swap3A_983], %swap3A_986 {strides = array<i32>} : memref<64x128xf32, #tpu.memory_space<vmem>>, vector<1x16xf32>,
      }
      %scan3A_530 = arith.constant 60 : i32
      %broadcast_in_dim3A = arith.constant 0.000000e+00 : f32
      %broadcast_in_dim3A_531 = vector.broadcast %broadcast_in_dim3A : f32 to vector<16xf32>
      %get3A = arith.constant 0 : i32
      %get3A_532 = arith.index_cast %get3A : i32 to index
      %get3A_533 = arith.constant 0 : index
      %get3A_534 = tpu.vector_load %arg17[%get3A_532, %get3A_533] {strides = array<i32>} : memref<1x128xf32, #tpu.memory_space<vmem>>, vector<1x16xf32>,
      %get3A_535 = vector.shape_cast %get3A_534 : vector<1x16xf32> to vector<16xf32>
      %swap3A = arith.constant 60 : i32
      %swap3A_536 = arith.index_cast %swap3A : i32 to index
      %swap3A_537 = arith.constant 0 : index
      %swap3A_538 = tpu.vector_load %arg13[%swap3A_536, %swap3A_537] {strides = array<i32>} : memref<64x128xf32, #tpu.memory_space<vmem>>, vector<1x16xf32>,
      %swap3A_539 = vector.shape_cast %swap3A_538 : vector<1x16xf32> to vector<16xf32>
      %swap3A_540 = vector.shape_cast %get3A_535 : vector<16xf32> to vector<1x16xf32>
      tpu.vector_store %arg13[%swap3A_536, %swap3A_537], %swap3A_540 {strides = array<i32>} : memref<64x128xf32, #tpu.memory_space<vmem>>, vector<1x16xf32>,
      %swap3A_541 = arith.constant 61 : i32
      %swap3A_542 = arith.index_cast %swap3A_541 : i32 to index
      %swap3A_543 = arith.constant 0 : index
      %swap3A_544 = tpu.vector_load %arg13[%swap3A_542, %swap3A_543] {strides = array<i32>} : memref<64x128xf32, #tpu.memory_space<vmem>>, vector<1x16xf32>,
      %swap3A_545 = vector.shape_cast %swap3A_544 : vector<1x16xf32> to vector<16xf32>
      %swap3A_546 = vector.shape_cast %broadcast_in_dim3A_531 : vector<16xf32> to vector<1x16xf32>
      tpu.vector_store %arg13[%swap3A_542, %swap3A_543], %swap3A_546 {strides = array<i32>} : memref<64x128xf32, #tpu.memory_space<vmem>>, vector<1x16xf32>,
      %swap3A_547 = arith.constant 62 : i32
      %swap3A_548 = arith.index_cast %swap3A_547 : i32 to index
      %swap3A_549 = arith.constant 0 : index
      %swap3A_550 = tpu.vector_load %arg13[%swap3A_548, %swap3A_549] {strides = array<i32>} : memref<64x128xf32, #tpu.memory_space<vmem>>, vector<1x16xf32>,
      %swap3A_551 = vector.shape_cast %swap3A_550 : vector<1x16xf32> to vector<16xf32>
      %swap3A_552 = vector.shape_cast %broadcast_in_dim3A_531 : vector<16xf32> to vector<1x16xf32>
      tpu.vector_store %arg13[%swap3A_548, %swap3A_549], %swap3A_552 {strides = array<i32>} : memref<64x128xf32, #tpu.memory_space<vmem>>, vector<1x16xf32>,
      %swap3A_553 = arith.constant 63 : i32
      %swap3A_554 = arith.index_cast %swap3A_553 : i32 to index
      %swap3A_555 = arith.constant 0 : index
      %swap3A_556 = tpu.vector_load %arg13[%swap3A_554, %swap3A_555] {strides = array<i32>} : memref<64x128xf32, #tpu.memory_space<vmem>>, vector<1x16xf32>,
      %swap3A_557 = vector.shape_cast %swap3A_556 : vector<1x16xf32> to vector<16xf32>
      %swap3A_558 = vector.shape_cast %broadcast_in_dim3A_531 : vector<16xf32> to vector<1x16xf32>
      tpu.vector_store %arg13[%swap3A_554, %swap3A_555], %swap3A_558 {strides = array<i32>} : memref<64x128xf32, #tpu.memory_space<vmem>>, vector<1x16xf32>,
      %get3A_559 = arith.constant 0 : i32
      %get3A_560 = arith.index_cast %get3A_559 : i32 to index
      %get3A_561 = arith.constant 16 : index
      %get3A_562 = tpu.vector_load %arg17[%get3A_560, %get3A_561] {strides = array<i32>} : memref<1x128xf32, #tpu.memory_space<vmem>>, vector<1x16xf32>,
      %get3A_563 = vector.shape_cast %get3A_562 : vector<1x16xf32> to vector<16xf32>
      %swap3A_564 = arith.constant 60 : i32
      %swap3A_565 = arith.index_cast %swap3A_564 : i32 to index
      %swap3A_566 = arith.constant 16 : index
      %swap3A_567 = tpu.vector_load %arg13[%swap3A_565, %swap3A_566] {strides = array<i32>} : memref<64x128xf32, #tpu.memory_space<vmem>>, vector<1x16xf32>,
      %swap3A_568 = vector.shape_cast %swap3A_567 : vector<1x16xf32> to vector<16xf32>
      %swap3A_569 = vector.shape_cast %get3A_563 : vector<16xf32> to vector<1x16xf32>
      tpu.vector_store %arg13[%swap3A_565, %swap3A_566], %swap3A_569 {strides = array<i32>} : memref<64x128xf32, #tpu.memory_space<vmem>>, vector<1x16xf32>,
      %swap3A_570 = arith.constant 61 : i32
      %swap3A_571 = arith.index_cast %swap3A_570 : i32 to index
      %swap3A_572 = arith.constant 16 : index
      %swap3A_573 = tpu.vector_load %arg13[%swap3A_571, %swap3A_572] {strides = array<i32>} : memref<64x128xf32, #tpu.memory_space<vmem>>, vector<1x16xf32>,
      %swap3A_574 = vector.shape_cast %swap3A_573 : vector<1x16xf32> to vector<16xf32>
      %swap3A_575 = vector.shape_cast %broadcast_in_dim3A_531 : vector<16xf32> to vector<1x16xf32>
      tpu.vector_store %arg13[%swap3A_571, %swap3A_572], %swap3A_575 {strides = array<i32>} : memref<64x128xf32, #tpu.memory_space<vmem>>, vector<1x16xf32>,
      %swap3A_576 = arith.constant 62 : i32
      %swap3A_577 = arith.index_cast %swap3A_576 : i32 to index
      %swap3A_578 = arith.constant 16 : index
      %swap3A_579 = tpu.vector_load %arg13[%swap3A_577, %swap3A_578] {strides = array<i32>} : memref<64x128xf32, #tpu.memory_space<vmem>>, vector<1x16xf32>,
      %swap3A_580 = vector.shape_cast %swap3A_579 : vector<1x16xf32> to vector<16xf32>
      %swap3A_581 = vector.shape_cast %broadcast_in_dim3A_531 : vector<16xf32> to vector<1x16xf32>
      tpu.vector_store %arg13[%swap3A_577, %swap3A_578], %swap3A_581 {strides = array<i32>} : memref<64x128xf32, #tpu.memory_space<vmem>>, vector<1x16xf32>,
      %swap3A_582 = arith.constant 63 : i32
      %swap3A_583 = arith.index_cast %swap3A_582 : i32 to index
      %swap3A_584 = arith.constant 16 : index
      %swap3A_585 = tpu.vector_load %arg13[%swap3A_583, %swap3A_584] {strides = array<i32>} : memref<64x128xf32, #tpu.memory_space<vmem>>, vector<1x16xf32>,
      %swap3A_586 = vector.shape_cast %swap3A_585 : vector<1x16xf32> to vector<16xf32>
      %swap3A_587 = vector.shape_cast %broadcast_in_dim3A_531 : vector<16xf32> to vector<1x16xf32>
      tpu.vector_store %arg13[%swap3A_583, %swap3A_584], %swap3A_587 {strides = array<i32>} : memref<64x128xf32, #tpu.memory_space<vmem>>, vector<1x16xf32>,
      %get3A_588 = arith.constant 0 : i32
      %get3A_589 = arith.index_cast %get3A_588 : i32 to index
      %get3A_590 = arith.constant 32 : index
      %get3A_591 = tpu.vector_load %arg17[%get3A_589, %get3A_590] {strides = array<i32>} : memref<1x128xf32, #tpu.memory_space<vmem>>, vector<1x16xf32>,
      %get3A_592 = vector.shape_cast %get3A_591 : vector<1x16xf32> to vector<16xf32>
      %swap3A_593 = arith.constant 60 : i32
      %swap3A_594 = arith.index_cast %swap3A_593 : i32 to index
      %swap3A_595 = arith.constant 32 : index
      %swap3A_596 = tpu.vector_load %arg13[%swap3A_594, %swap3A_595] {strides = array<i32>} : memref<64x128xf32, #tpu.memory_space<vmem>>, vector<1x16xf32>,
      %swap3A_597 = vector.shape_cast %swap3A_596 : vector<1x16xf32> to vector<16xf32>
      %swap3A_598 = vector.shape_cast %get3A_592 : vector<16xf32> to vector<1x16xf32>
      tpu.vector_store %arg13[%swap3A_594, %swap3A_595], %swap3A_598 {strides = array<i32>} : memref<64x128xf32, #tpu.memory_space<vmem>>, vector<1x16xf32>,
      %swap3A_599 = arith.constant 61 : i32
      %swap3A_600 = arith.index_cast %swap3A_599 : i32 to index
      %swap3A_601 = arith.constant 32 : index
      %swap3A_602 = tpu.vector_load %arg13[%swap3A_600, %swap3A_601] {strides = array<i32>} : memref<64x128xf32, #tpu.memory_space<vmem>>, vector<1x16xf32>,
      %swap3A_603 = vector.shape_cast %swap3A_602 : vector<1x16xf32> to vector<16xf32>
      %swap3A_604 = vector.shape_cast %broadcast_in_dim3A_531 : vector<16xf32> to vector<1x16xf32>
      tpu.vector_store %arg13[%swap3A_600, %swap3A_601], %swap3A_604 {strides = array<i32>} : memref<64x128xf32, #tpu.memory_space<vmem>>, vector<1x16xf32>,
      %swap3A_605 = arith.constant 62 : i32
      %swap3A_606 = arith.index_cast %swap3A_605 : i32 to index
      %swap3A_607 = arith.constant 32 : index
      %swap3A_608 = tpu.vector_load %arg13[%swap3A_606, %swap3A_607] {strides = array<i32>} : memref<64x128xf32, #tpu.memory_space<vmem>>, vector<1x16xf32>,
      %swap3A_609 = vector.shape_cast %swap3A_608 : vector<1x16xf32> to vector<16xf32>
      %swap3A_610 = vector.shape_cast %broadcast_in_dim3A_531 : vector<16xf32> to vector<1x16xf32>
      tpu.vector_store %arg13[%swap3A_606, %swap3A_607], %swap3A_610 {strides = array<i32>} : memref<64x128xf32, #tpu.memory_space<vmem>>, vector<1x16xf32>,
      %swap3A_611 = arith.constant 63 : i32
      %swap3A_612 = arith.index_cast %swap3A_611 : i32 to index
      %swap3A_613 = arith.constant 32 : index
      %swap3A_614 = tpu.vector_load %arg13[%swap3A_612, %swap3A_613] {strides = array<i32>} : memref<64x128xf32, #tpu.memory_space<vmem>>, vector<1x16xf32>,
      %swap3A_615 = vector.shape_cast %swap3A_614 : vector<1x16xf32> to vector<16xf32>
      %swap3A_616 = vector.shape_cast %broadcast_in_dim3A_531 : vector<16xf32> to vector<1x16xf32>
      tpu.vector_store %arg13[%swap3A_612, %swap3A_613], %swap3A_616 {strides = array<i32>} : memref<64x128xf32, #tpu.memory_space<vmem>>, vector<1x16xf32>,
      %get3A_617 = arith.constant 0 : i32
      %get3A_618 = arith.index_cast %get3A_617 : i32 to index
      %get3A_619 = arith.constant 48 : index
      %get3A_620 = tpu.vector_load %arg17[%get3A_618, %get3A_619] {strides = array<i32>} : memref<1x128xf32, #tpu.memory_space<vmem>>, vector<1x16xf32>,
      %get3A_621 = vector.shape_cast %get3A_620 : vector<1x16xf32> to vector<16xf32>
      %swap3A_622 = arith.constant 60 : i32
      %swap3A_623 = arith.index_cast %swap3A_622 : i32 to index
      %swap3A_624 = arith.constant 48 : index
      %swap3A_625 = tpu.vector_load %arg13[%swap3A_623, %swap3A_624] {strides = array<i32>} : memref<64x128xf32, #tpu.memory_space<vmem>>, vector<1x16xf32>,
      %swap3A_626 = vector.shape_cast %swap3A_625 : vector<1x16xf32> to vector<16xf32>
      %swap3A_627 = vector.shape_cast %get3A_621 : vector<16xf32> to vector<1x16xf32>
      tpu.vector_store %arg13[%swap3A_623, %swap3A_624], %swap3A_627 {strides = array<i32>} : memref<64x128xf32, #tpu.memory_space<vmem>>, vector<1x16xf32>,
      %swap3A_628 = arith.constant 61 : i32
      %swap3A_629 = arith.index_cast %swap3A_628 : i32 to index
      %swap3A_630 = arith.constant 48 : index
      %swap3A_631 = tpu.vector_load %arg13[%swap3A_629, %swap3A_630] {strides = array<i32>} : memref<64x128xf32, #tpu.memory_space<vmem>>, vector<1x16xf32>,
      %swap3A_632 = vector.shape_cast %swap3A_631 : vector<1x16xf32> to vector<16xf32>
      %swap3A_633 = vector.shape_cast %broadcast_in_dim3A_531 : vector<16xf32> to vector<1x16xf32>
      tpu.vector_store %arg13[%swap3A_629, %swap3A_630], %swap3A_633 {strides = array<i32>} : memref<64x128xf32, #tpu.memory_space<vmem>>, vector<1x16xf32>,
      %swap3A_634 = arith.constant 62 : i32
      %swap3A_635 = arith.index_cast %swap3A_634 : i32 to index
      %swap3A_636 = arith.constant 48 : index
      %swap3A_637 = tpu.vector_load %arg13[%swap3A_635, %swap3A_636] {strides = array<i32>} : memref<64x128xf32, #tpu.memory_space<vmem>>, vector<1x16xf32>,
      %swap3A_638 = vector.shape_cast %swap3A_637 : vector<1x16xf32> to vector<16xf32>
      %swap3A_639 = vector.shape_cast %broadcast_in_dim3A_531 : vector<16xf32> to vector<1x16xf32>
      tpu.vector_store %arg13[%swap3A_635, %swap3A_636], %swap3A_639 {strides = array<i32>} : memref<64x128xf32, #tpu.memory_space<vmem>>, vector<1x16xf32>,
      %swap3A_640 = arith.constant 63 : i32
      %swap3A_641 = arith.index_cast %swap3A_640 : i32 to index
      %swap3A_642 = arith.constant 48 : index
      %swap3A_643 = tpu.vector_load %arg13[%swap3A_641, %swap3A_642] {strides = array<i32>} : memref<64x128xf32, #tpu.memory_space<vmem>>, vector<1x16xf32>,
      %swap3A_644 = vector.shape_cast %swap3A_643 : vector<1x16xf32> to vector<16xf32>
      %swap3A_645 = vector.shape_cast %broadcast_in_dim3A_531 : vector<16xf32> to vector<1x16xf32>
      tpu.vector_store %arg13[%swap3A_641, %swap3A_642], %swap3A_645 {strides = array<i32>} : memref<64x128xf32, #tpu.memory_space<vmem>>, vector<1x16xf32>,
      %get3A_646 = arith.constant 0 : i32
      %get3A_647 = arith.index_cast %get3A_646 : i32 to index
      %get3A_648 = arith.constant 64 : index
      %get3A_649 = tpu.vector_load %arg17[%get3A_647, %get3A_648] {strides = array<i32>} : memref<1x128xf32, #tpu.memory_space<vmem>>, vector<1x16xf32>,
      %get3A_650 = vector.shape_cast %get3A_649 : vector<1x16xf32> to vector<16xf32>
      %swap3A_651 = arith.constant 60 : i32
      %swap3A_652 = arith.index_cast %swap3A_651 : i32 to index
      %swap3A_653 = arith.constant 64 : index
      %swap3A_654 = tpu.vector_load %arg13[%swap3A_652, %swap3A_653] {strides = array<i32>} : memref<64x128xf32, #tpu.memory_space<vmem>>, vector<1x16xf32>,
      %swap3A_655 = vector.shape_cast %swap3A_654 : vector<1x16xf32> to vector<16xf32>
      %swap3A_656 = vector.shape_cast %get3A_650 : vector<16xf32> to vector<1x16xf32>
      tpu.vector_store %arg13[%swap3A_652, %swap3A_653], %swap3A_656 {strides = array<i32>} : memref<64x128xf32, #tpu.memory_space<vmem>>, vector<1x16xf32>,
      %swap3A_657 = arith.constant 61 : i32
      %swap3A_658 = arith.index_cast %swap3A_657 : i32 to index
      %swap3A_659 = arith.constant 64 : index
      %swap3A_660 = tpu.vector_load %arg13[%swap3A_658, %swap3A_659] {strides = array<i32>} : memref<64x128xf32, #tpu.memory_space<vmem>>, vector<1x16xf32>,
      %swap3A_661 = vector.shape_cast %swap3A_660 : vector<1x16xf32> to vector<16xf32>
      %swap3A_662 = vector.shape_cast %broadcast_in_dim3A_531 : vector<16xf32> to vector<1x16xf32>
      tpu.vector_store %arg13[%swap3A_658, %swap3A_659], %swap3A_662 {strides = array<i32>} : memref<64x128xf32, #tpu.memory_space<vmem>>, vector<1x16xf32>,
      %swap3A_663 = arith.constant 62 : i32
      %swap3A_664 = arith.index_cast %swap3A_663 : i32 to index
      %swap3A_665 = arith.constant 64 : index
      %swap3A_666 = tpu.vector_load %arg13[%swap3A_664, %swap3A_665] {strides = array<i32>} : memref<64x128xf32, #tpu.memory_space<vmem>>, vector<1x16xf32>,
      %swap3A_667 = vector.shape_cast %swap3A_666 : vector<1x16xf32> to vector<16xf32>
      %swap3A_668 = vector.shape_cast %broadcast_in_dim3A_531 : vector<16xf32> to vector<1x16xf32>
      tpu.vector_store %arg13[%swap3A_664, %swap3A_665], %swap3A_668 {strides = array<i32>} : memref<64x128xf32, #tpu.memory_space<vmem>>, vector<1x16xf32>,
      %swap3A_669 = arith.constant 63 : i32
      %swap3A_670 = arith.index_cast %swap3A_669 : i32 to index
      %swap3A_671 = arith.constant 64 : index
      %swap3A_672 = tpu.vector_load %arg13[%swap3A_670, %swap3A_671] {strides = array<i32>} : memref<64x128xf32, #tpu.memory_space<vmem>>, vector<1x16xf32>,
      %swap3A_673 = vector.shape_cast %swap3A_672 : vector<1x16xf32> to vector<16xf32>
      %swap3A_674 = vector.shape_cast %broadcast_in_dim3A_531 : vector<16xf32> to vector<1x16xf32>
      tpu.vector_store %arg13[%swap3A_670, %swap3A_671], %swap3A_674 {strides = array<i32>} : memref<64x128xf32, #tpu.memory_space<vmem>>, vector<1x16xf32>,
      %get3A_675 = arith.constant 0 : i32
      %get3A_676 = arith.index_cast %get3A_675 : i32 to index
      %get3A_677 = arith.constant 80 : index
      %get3A_678 = tpu.vector_load %arg17[%get3A_676, %get3A_677] {strides = array<i32>} : memref<1x128xf32, #tpu.memory_space<vmem>>, vector<1x16xf32>,
      %get3A_679 = vector.shape_cast %get3A_678 : vector<1x16xf32> to vector<16xf32>
      %swap3A_680 = arith.constant 60 : i32
      %swap3A_681 = arith.index_cast %swap3A_680 : i32 to index
      %swap3A_682 = arith.constant 80 : index
      %swap3A_683 = tpu.vector_load %arg13[%swap3A_681, %swap3A_682] {strides = array<i32>} : memref<64x128xf32, #tpu.memory_space<vmem>>, vector<1x16xf32>,
      %swap3A_684 = vector.shape_cast %swap3A_683 : vector<1x16xf32> to vector<16xf32>
      %swap3A_685 = vector.shape_cast %get3A_679 : vector<16xf32> to vector<1x16xf32>
      tpu.vector_store %arg13[%swap3A_681, %swap3A_682], %swap3A_685 {strides = array<i32>} : memref<64x128xf32, #tpu.memory_space<vmem>>, vector<1x16xf32>,
      %swap3A_686 = arith.constant 61 : i32
      %swap3A_687 = arith.index_cast %swap3A_686 : i32 to index
      %swap3A_688 = arith.constant 80 : index
      %swap3A_689 = tpu.vector_load %arg13[%swap3A_687, %swap3A_688] {strides = array<i32>} : memref<64x128xf32, #tpu.memory_space<vmem>>, vector<1x16xf32>,
      %swap3A_690 = vector.shape_cast %swap3A_689 : vector<1x16xf32> to vector<16xf32>
      %swap3A_691 = vector.shape_cast %broadcast_in_dim3A_531 : vector<16xf32> to vector<1x16xf32>
      tpu.vector_store %arg13[%swap3A_687, %swap3A_688], %swap3A_691 {strides = array<i32>} : memref<64x128xf32, #tpu.memory_space<vmem>>, vector<1x16xf32>,
      %swap3A_692 = arith.constant 62 : i32
      %swap3A_693 = arith.index_cast %swap3A_692 : i32 to index
      %swap3A_694 = arith.constant 80 : index
      %swap3A_695 = tpu.vector_load %arg13[%swap3A_693, %swap3A_694] {strides = array<i32>} : memref<64x128xf32, #tpu.memory_space<vmem>>, vector<1x16xf32>,
      %swap3A_696 = vector.shape_cast %swap3A_695 : vector<1x16xf32> to vector<16xf32>
      %swap3A_697 = vector.shape_cast %broadcast_in_dim3A_531 : vector<16xf32> to vector<1x16xf32>
      tpu.vector_store %arg13[%swap3A_693, %swap3A_694], %swap3A_697 {strides = array<i32>} : memref<64x128xf32, #tpu.memory_space<vmem>>, vector<1x16xf32>,
      %swap3A_698 = arith.constant 63 : i32
      %swap3A_699 = arith.index_cast %swap3A_698 : i32 to index
      %swap3A_700 = arith.constant 80 : index
      %swap3A_701 = tpu.vector_load %arg13[%swap3A_699, %swap3A_700] {strides = array<i32>} : memref<64x128xf32, #tpu.memory_space<vmem>>, vector<1x16xf32>,
      %swap3A_702 = vector.shape_cast %swap3A_701 : vector<1x16xf32> to vector<16xf32>
      %swap3A_703 = vector.shape_cast %broadcast_in_dim3A_531 : vector<16xf32> to vector<1x16xf32>
      tpu.vector_store %arg13[%swap3A_699, %swap3A_700], %swap3A_703 {strides = array<i32>} : memref<64x128xf32, #tpu.memory_space<vmem>>, vector<1x16xf32>,
      %get3A_704 = arith.constant 0 : i32
      %get3A_705 = arith.index_cast %get3A_704 : i32 to index
      %get3A_706 = arith.constant 96 : index
      %get3A_707 = tpu.vector_load %arg17[%get3A_705, %get3A_706] {strides = array<i32>} : memref<1x128xf32, #tpu.memory_space<vmem>>, vector<1x16xf32>,
      %get3A_708 = vector.shape_cast %get3A_707 : vector<1x16xf32> to vector<16xf32>
      %swap3A_709 = arith.constant 60 : i32
      %swap3A_710 = arith.index_cast %swap3A_709 : i32 to index
      %swap3A_711 = arith.constant 96 : index
      %swap3A_712 = tpu.vector_load %arg13[%swap3A_710, %swap3A_711] {strides = array<i32>} : memref<64x128xf32, #tpu.memory_space<vmem>>, vector<1x16xf32>,
      %swap3A_713 = vector.shape_cast %swap3A_712 : vector<1x16xf32> to vector<16xf32>
      %swap3A_714 = vector.shape_cast %get3A_708 : vector<16xf32> to vector<1x16xf32>
      tpu.vector_store %arg13[%swap3A_710, %swap3A_711], %swap3A_714 {strides = array<i32>} : memref<64x128xf32, #tpu.memory_space<vmem>>, vector<1x16xf32>,
      %swap3A_715 = arith.constant 61 : i32
      %swap3A_716 = arith.index_cast %swap3A_715 : i32 to index
      %swap3A_717 = arith.constant 96 : index
      %swap3A_718 = tpu.vector_load %arg13[%swap3A_716, %swap3A_717] {strides = array<i32>} : memref<64x128xf32, #tpu.memory_space<vmem>>, vector<1x16xf32>,
      %swap3A_719 = vector.shape_cast %swap3A_718 : vector<1x16xf32> to vector<16xf32>
      %swap3A_720 = vector.shape_cast %broadcast_in_dim3A_531 : vector<16xf32> to vector<1x16xf32>
      tpu.vector_store %arg13[%swap3A_716, %swap3A_717], %swap3A_720 {strides = array<i32>} : memref<64x128xf32, #tpu.memory_space<vmem>>, vector<1x16xf32>,
      %swap3A_721 = arith.constant 62 : i32
      %swap3A_722 = arith.index_cast %swap3A_721 : i32 to index
      %swap3A_723 = arith.constant 96 : index
      %swap3A_724 = tpu.vector_load %arg13[%swap3A_722, %swap3A_723] {strides = array<i32>} : memref<64x128xf32, #tpu.memory_space<vmem>>, vector<1x16xf32>,
      %swap3A_725 = vector.shape_cast %swap3A_724 : vector<1x16xf32> to vector<16xf32>
      %swap3A_726 = vector.shape_cast %broadcast_in_dim3A_531 : vector<16xf32> to vector<1x16xf32>
      tpu.vector_store %arg13[%swap3A_722, %swap3A_723], %swap3A_726 {strides = array<i32>} : memref<64x128xf32, #tpu.memory_space<vmem>>, vector<1x16xf32>,
      %swap3A_727 = arith.constant 63 : i32
      %swap3A_728 = arith.index_cast %swap3A_727 : i32 to index
      %swap3A_729 = arith.constant 96 : index
      %swap3A_730 = tpu.vector_load %arg13[%swap3A_728, %swap3A_729] {strides = array<i32>} : memref<64x128xf32, #tpu.memory_space<vmem>>, vector<1x16xf32>,
      %swap3A_731 = vector.shape_cast %swap3A_730 : vector<1x16xf32> to vector<16xf32>
      %swap3A_732 = vector.shape_cast %broadcast_in_dim3A_531 : vector<16xf32> to vector<1x16xf32>
      tpu.vector_store %arg13[%swap3A_728, %swap3A_729], %swap3A_732 {strides = array<i32>} : memref<64x128xf32, #tpu.memory_space<vmem>>, vector<1x16xf32>,
      %get3A_733 = arith.constant 0 : i32
      %get3A_734 = arith.index_cast %get3A_733 : i32 to index
      %get3A_735 = arith.constant 112 : index
      %get3A_736 = tpu.vector_load %arg17[%get3A_734, %get3A_735] {strides = array<i32>} : memref<1x128xf32, #tpu.memory_space<vmem>>, vector<1x16xf32>,
      %get3A_737 = vector.shape_cast %get3A_736 : vector<1x16xf32> to vector<16xf32>
      %swap3A_738 = arith.constant 60 : i32
      %swap3A_739 = arith.index_cast %swap3A_738 : i32 to index
      %swap3A_740 = arith.constant 112 : index
      %swap3A_741 = tpu.vector_load %arg13[%swap3A_739, %swap3A_740] {strides = array<i32>} : memref<64x128xf32, #tpu.memory_space<vmem>>, vector<1x16xf32>,
      %swap3A_742 = vector.shape_cast %swap3A_741 : vector<1x16xf32> to vector<16xf32>
      %swap3A_743 = vector.shape_cast %get3A_737 : vector<16xf32> to vector<1x16xf32>
      tpu.vector_store %arg13[%swap3A_739, %swap3A_740], %swap3A_743 {strides = array<i32>} : memref<64x128xf32, #tpu.memory_space<vmem>>, vector<1x16xf32>,
      %swap3A_744 = arith.constant 61 : i32
      %swap3A_745 = arith.index_cast %swap3A_744 : i32 to index
      %swap3A_746 = arith.constant 112 : index
      %swap3A_747 = tpu.vector_load %arg13[%swap3A_745, %swap3A_746] {strides = array<i32>} : memref<64x128xf32, #tpu.memory_space<vmem>>, vector<1x16xf32>,
      %swap3A_748 = vector.shape_cast %swap3A_747 : vector<1x16xf32> to vector<16xf32>
      %swap3A_749 = vector.shape_cast %broadcast_in_dim3A_531 : vector<16xf32> to vector<1x16xf32>
      tpu.vector_store %arg13[%swap3A_745, %swap3A_746], %swap3A_749 {strides = array<i32>} : memref<64x128xf32, #tpu.memory_space<vmem>>, vector<1x16xf32>,
      %swap3A_750 = arith.constant 62 : i32
      %swap3A_751 = arith.index_cast %swap3A_750 : i32 to index
      %swap3A_752 = arith.constant 112 : index
      %swap3A_753 = tpu.vector_load %arg13[%swap3A_751, %swap3A_752] {strides = array<i32>} : memref<64x128xf32, #tpu.memory_space<vmem>>, vector<1x16xf32>,
      %swap3A_754 = vector.shape_cast %swap3A_753 : vector<1x16xf32> to vector<16xf32>
      %swap3A_755 = vector.shape_cast %broadcast_in_dim3A_531 : vector<16xf32> to vector<1x16xf32>
      tpu.vector_store %arg13[%swap3A_751, %swap3A_752], %swap3A_755 {strides = array<i32>} : memref<64x128xf32, #tpu.memory_space<vmem>>, vector<1x16xf32>,
      %swap3A_756 = arith.constant 63 : i32
      %swap3A_757 = arith.index_cast %swap3A_756 : i32 to index
      %swap3A_758 = arith.constant 112 : index
      %swap3A_759 = tpu.vector_load %arg13[%swap3A_757, %swap3A_758] {strides = array<i32>} : memref<64x128xf32, #tpu.memory_space<vmem>>, vector<1x16xf32>,
      %swap3A_760 = vector.shape_cast %swap3A_759 : vector<1x16xf32> to vector<16xf32>
      %swap3A_761 = vector.shape_cast %broadcast_in_dim3A_531 : vector<16xf32> to vector<1x16xf32>
      tpu.vector_store %arg13[%swap3A_757, %swap3A_758], %swap3A_761 {strides = array<i32>} : memref<64x128xf32, #tpu.memory_space<vmem>>, vector<1x16xf32>,
      "tpu.region"() ({
        %run_scoped3A = tpu.sem_alloc : memref<!tpu.dma_semaphore, #tpu.memory_space<semaphore_mem>>
        tpu.enqueue_dma source(%arg13 : memref<64x128xf32, #tpu.memory_space<vmem>>) target(%arg18 : memref<64x128xf32, #tpu.memory_space<vmem_shared>>) target_semaphore(%run_scoped3A : memref<!tpu.dma_semaphore, #tpu.memory_space<semaphore_mem>>)
        tpu.wait_dma2 semaphore(%run_scoped3A : memref<!tpu.dma_semaphore, #tpu.memory_space<semaphore_mem>>) src(%arg13 : memref<64x128xf32, #tpu.memory_space<vmem>>) dst(%arg18 : memref<64x128xf32, #tpu.memory_space<vmem_shared>>)
        tpu.yield
      }) : () -> ()
    } else {
    }
    %dma_wait3A = tpu.memref_slice %arg2[%mul3A_2] : memref<960000xi32, #tpu.memory_space<hbm>> -> memref<10000xi32, #tpu.memory_space<hbm>>
    %dma_wait3A_14 = tpu.memref_slice %arg2[%mul3A_2] : memref<960000xi32, #tpu.memory_space<hbm>> -> memref<10000xi32, #tpu.memory_space<hbm>>
    tpu.wait_dma2 semaphore(%arg21 : memref<!tpu.dma_semaphore, #tpu.memory_space<semaphore_mem>>) src(%dma_wait3A_14 : memref<10000xi32, #tpu.memory_space<hbm>>) dst(%arg8 : memref<10000xi32, #tpu.memory_space<vmem>>)
    %dma_wait3A_15 = tpu.memref_slice %arg2[%add3A_5] : memref<960000xi32, #tpu.memory_space<hbm>> -> memref<10000xi32, #tpu.memory_space<hbm>>
    %dma_wait3A_16 = tpu.memref_slice %arg2[%add3A_5] : memref<960000xi32, #tpu.memory_space<hbm>> -> memref<10000xi32, #tpu.memory_space<hbm>>
    tpu.wait_dma2 semaphore(%arg21 : memref<!tpu.dma_semaphore, #tpu.memory_space<semaphore_mem>>) src(%dma_wait3A_16 : memref<10000xi32, #tpu.memory_space<hbm>>) dst(%arg9 : memref<10000xi32, #tpu.memory_space<vmem>>)
    %dma_wait3A_17 = tpu.memref_slice %arg2[%add3A_9] : memref<960000xi32, #tpu.memory_space<hbm>> -> memref<10000xi32, #tpu.memory_space<hbm>>
    %dma_wait3A_18 = tpu.memref_slice %arg2[%add3A_9] : memref<960000xi32, #tpu.memory_space<hbm>> -> memref<10000xi32, #tpu.memory_space<hbm>>
    tpu.wait_dma2 semaphore(%arg21 : memref<!tpu.dma_semaphore, #tpu.memory_space<semaphore_mem>>) src(%dma_wait3A_18 : memref<10000xi32, #tpu.memory_space<hbm>>) dst(%arg10 : memref<10000xi32, #tpu.memory_space<vmem>>)
    %scan3A = arith.constant 0 : i32
    %scan3A_19 = arith.constant 0 : i32
    %scan3A_20 = arith.constant 25 : i32
    %scan3A_21 = arith.addi %scan3A_19, %scan3A_20 : i32
    %scan3A_22 = arith.constant 1 : i32
    scf.for %scan3A_525 = %scan3A_19 to %scan3A_21 step %scan3A_22  : i32 {
      %mul3A_526 = arith.constant 16 : i32
      %mul3A_527 = arith.muli %scan3A_525, %mul3A_526 : i32
      %add3A_528 = arith.constant 0 : i32
      %add3A_529 = arith.addi %add3A_528, %mul3A_527 : i32
      %get3A = arith.index_cast %add3A_529 : i32 to index
      %get3A_530 = tpu.vector_load %arg8[%get3A] {strides = array<i32>} : memref<10000xi32, #tpu.memory_space<vmem>>, vector<16xi32>,
      %get3A_531 = vector.shape_cast %get3A_530 : vector<16xi32> to vector<16xi32>
      %get3A_532 = arith.index_cast %add3A_529 : i32 to index
      %get3A_533 = tpu.vector_load %arg9[%get3A_532] {strides = array<i32>} : memref<10000xi32, #tpu.memory_space<vmem>>, vector<16xi32>,
      %get3A_534 = vector.shape_cast %get3A_533 : vector<16xi32> to vector<16xi32>
      %get3A_535 = arith.index_cast %add3A_529 : i32 to index
      %get3A_536 = tpu.vector_load %arg10[%get3A_535] {strides = array<i32>} : memref<10000xi32, #tpu.memory_space<vmem>>, vector<16xi32>,
      %get3A_537 = vector.shape_cast %get3A_536 : vector<16xi32> to vector<16xi32>
      %add3A_538 = arith.addi %get3A_531, %get3A_534 : vector<16xi32>
      %add3A_539 = arith.addi %add3A_538, %get3A_537 : vector<16xi32>
      %jit3A = arith.constant 0 : i32
      %jit3A_540 = arith.constant 4 : i32
      %max3A = vector.broadcast %jit3A : i32 to vector<16xi32>
      %max3A_541 = arith.maxsi %max3A, %get3A_531 : vector<16xi32>
      %min3A = vector.broadcast %jit3A_540 : i32 to vector<16xi32>
      %min3A_542 = arith.minsi %min3A, %max3A_541 : vector<16xi32>
      %mul3A_543 = arith.constant 12 : i32
      %mul3A_544 = vector.broadcast %mul3A_543 : i32 to vector<16xi32>
      %mul3A_545 = arith.muli %min3A_542, %mul3A_544 : vector<16xi32>
      %jit3A_546 = arith.constant 0 : i32
      %jit3A_547 = arith.constant 5 : i32
      %max3A_548 = vector.broadcast %jit3A_546 : i32 to vector<16xi32>
      %max3A_549 = arith.maxsi %max3A_548, %get3A_534 : vector<16xi32>
      %min3A_550 = vector.broadcast %jit3A_547 : i32 to vector<16xi32>
      %min3A_551 = arith.minsi %min3A_550, %max3A_549 : vector<16xi32>
      %mul3A_552 = arith.constant 2 : i32
      %mul3A_553 = vector.broadcast %mul3A_552 : i32 to vector<16xi32>
      %mul3A_554 = arith.muli %min3A_551, %mul3A_553 : vector<16xi32>
      %add3A_555 = arith.addi %mul3A_545, %mul3A_554 : vector<16xi32>
      %jit3A_556 = arith.constant 0 : i32
      %jit3A_557 = arith.constant 1 : i32
      %max3A_558 = vector.broadcast %jit3A_556 : i32 to vector<16xi32>
      %max3A_559 = arith.maxsi %max3A_558, %get3A_537 : vector<16xi32>
      %min3A_560 = vector.broadcast %jit3A_557 : i32 to vector<16xi32>
      %min3A_561 = arith.minsi %min3A_560, %max3A_559 : vector<16xi32>
      %add3A_562 = arith.addi %add3A_555, %min3A_561 : vector<16xi32>
      %ge3A = arith.constant 0 : i32
      %ge3A_563 = vector.broadcast %ge3A : i32 to vector<16xi32>
      %ge3A_564 = arith.cmpi sge, %add3A_539, %ge3A_563 : vector<16xi32>
      %eq3A_565 = arith.constant -3 : i32
      %eq3A_566 = vector.broadcast %eq3A_565 : i32 to vector<16xi32>
      %eq3A_567 = arith.cmpi eq, %add3A_539, %eq3A_566 : vector<16xi32>
      %broadcast_in_dim3A = arith.constant 60 : i32
      %broadcast_in_dim3A_568 = vector.broadcast %broadcast_in_dim3A : i32 to vector<16xi32>
      %broadcast_in_dim3A_569 = arith.constant 61 : i32
      %broadcast_in_dim3A_570 = vector.broadcast %broadcast_in_dim3A_569 : i32 to vector<16xi32>
      %select_n3A = arith.select %eq3A_567, %broadcast_in_dim3A_568, %broadcast_in_dim3A_570 : vector<16xi1>, vector<16xi32>
      %select_n3A_571 = arith.select %ge3A_564, %add3A_562, %select_n3A : vector<16xi1>, vector<16xi32>
      %swap3A = arith.index_cast %add3A_529 : i32 to index
      %swap3A_572 = tpu.vector_load %arg11[%swap3A] {strides = array<i32>} : memref<10000xi32, #tpu.memory_space<vmem>>, vector<16xi32>,
      %swap3A_573 = vector.shape_cast %swap3A_572 : vector<16xi32> to vector<16xi32>
      %swap3A_574 = vector.shape_cast %select_n3A_571 : vector<16xi32> to vector<16xi32>
      tpu.vector_store %arg11[%swap3A], %swap3A_574 {strides = array<i32>} : memref<10000xi32, #tpu.memory_space<vmem>>, vector<16xi32>,
    }
    %scan3A_23 = arith.constant 25 : i32
    %barrier3A = arith.constant 0 : index
    tpu.barrier barrier_id(%barrier3A)
    %sub3A = arith.subi %mul3A_2, %mul3A_2 : i32
    %add3A_24 = arith.constant 0 : i32
    %add3A_25 = arith.addi %sub3A, %add3A_24 : i32
    %dma_start3A_26 = arith.constant 0 : i32
    %dma_start3A_27 = arith.constant 0 : i32
    %dma_start3A_28 = tpu.memref_slice %arg12[%dma_start3A_26, %dma_start3A_27] : memref<400x128xf32, #tpu.memory_space<vmem>> -> memref<40x128xf32, #tpu.memory_space<vmem>>
    %dma_start3A_29 = tpu.memref_slice %arg11[%add3A_25] : memref<10000xi32, #tpu.memory_space<vmem>> -> memref<40xi32, #tpu.memory_space<vmem>>
    %dma_start3A_30 = arith.constant 0 : i32
    %dma_start3A_31 = arith.constant 0 : i32
    %dma_start3A_32 = tpu.memref_slice %arg18[%dma_start3A_30, %dma_start3A_31] : memref<64x128xf32, #tpu.memory_space<vmem_shared>> -> memref<64x128xf32, #tpu.memory_space<vmem_shared>>
    tpu.enqueue_indirect_dma source(%dma_start3A_32 : memref<64x128xf32, #tpu.memory_space<vmem_shared>>) target(%dma_start3A_28 : memref<40x128xf32, #tpu.memory_space<vmem>>) offsets(%dma_start3A_29 : memref<40xi32, #tpu.memory_space<vmem>>) semaphore(%arg19 : memref<!tpu.dma_semaphore, #tpu.memory_space<semaphore_mem>>)
    %sub3A_33 = arith.subi %mul3A_2, %mul3A_2 : i32
    %add3A_34 = arith.constant 40 : i32
    %add3A_35 = arith.addi %sub3A_33, %add3A_34 : i32
    %dma_start3A_36 = arith.constant 40 : i32
    %dma_start3A_37 = arith.constant 0 : i32
    %dma_start3A_38 = tpu.memref_slice %arg12[%dma_start3A_36, %dma_start3A_37] : memref<400x128xf32, #tpu.memory_space<vmem>> -> memref<40x128xf32, #tpu.memory_space<vmem>>
    %dma_start3A_39 = tpu.memref_slice %arg11[%add3A_35] : memref<10000xi32, #tpu.memory_space<vmem>> -> memref<40xi32, #tpu.memory_space<vmem>>
    %dma_start3A_40 = arith.constant 0 : i32
    %dma_start3A_41 = arith.constant 0 : i32
    %dma_start3A_42 = tpu.memref_slice %arg18[%dma_start3A_40, %dma_start3A_41] : memref<64x128xf32, #tpu.memory_space<vmem_shared>> -> memref<64x128xf32, #tpu.memory_space<vmem_shared>>
    tpu.enqueue_indirect_dma source(%dma_start3A_42 : memref<64x128xf32, #tpu.memory_space<vmem_shared>>) target(%dma_start3A_38 : memref<40x128xf32, #tpu.memory_space<vmem>>) offsets(%dma_start3A_39 : memref<40xi32, #tpu.memory_space<vmem>>) semaphore(%arg19 : memref<!tpu.dma_semaphore, #tpu.memory_space<semaphore_mem>>)
    %sub3A_43 = arith.subi %mul3A_2, %mul3A_2 : i32
    %add3A_44 = arith.constant 80 : i32
    %add3A_45 = arith.addi %sub3A_43, %add3A_44 : i32
    %dma_start3A_46 = arith.constant 80 : i32
    %dma_start3A_47 = arith.constant 0 : i32
    %dma_start3A_48 = tpu.memref_slice %arg12[%dma_start3A_46, %dma_start3A_47] : memref<400x128xf32, #tpu.memory_space<vmem>> -> memref<40x128xf32, #tpu.memory_space<vmem>>
    %dma_start3A_49 = tpu.memref_slice %arg11[%add3A_45] : memref<10000xi32, #tpu.memory_space<vmem>> -> memref<40xi32, #tpu.memory_space<vmem>>
    %dma_start3A_50 = arith.constant 0 : i32
    %dma_start3A_51 = arith.constant 0 : i32
    %dma_start3A_52 = tpu.memref_slice %arg18[%dma_start3A_50, %dma_start3A_51] : memref<64x128xf32, #tpu.memory_space<vmem_shared>> -> memref<64x128xf32, #tpu.memory_space<vmem_shared>>
    tpu.enqueue_indirect_dma source(%dma_start3A_52 : memref<64x128xf32, #tpu.memory_space<vmem_shared>>) target(%dma_start3A_48 : memref<40x128xf32, #tpu.memory_space<vmem>>) offsets(%dma_start3A_49 : memref<40xi32, #tpu.memory_space<vmem>>) semaphore(%arg19 : memref<!tpu.dma_semaphore, #tpu.memory_space<semaphore_mem>>)
    %sub3A_53 = arith.subi %mul3A_2, %mul3A_2 : i32
    %add3A_54 = arith.constant 120 : i32
    %add3A_55 = arith.addi %sub3A_53, %add3A_54 : i32
    %dma_start3A_56 = arith.constant 120 : i32
    %dma_start3A_57 = arith.constant 0 : i32
    %dma_start3A_58 = tpu.memref_slice %arg12[%dma_start3A_56, %dma_start3A_57] : memref<400x128xf32, #tpu.memory_space<vmem>> -> memref<40x128xf32, #tpu.memory_space<vmem>>
    %dma_start3A_59 = tpu.memref_slice %arg11[%add3A_55] : memref<10000xi32, #tpu.memory_space<vmem>> -> memref<40xi32, #tpu.memory_space<vmem>>
    %dma_start3A_60 = arith.constant 0 : i32
    %dma_start3A_61 = arith.constant 0 : i32
    %dma_start3A_62 = tpu.memref_slice %arg18[%dma_start3A_60, %dma_start3A_61] : memref<64x128xf32, #tpu.memory_space<vmem_shared>> -> memref<64x128xf32, #tpu.memory_space<vmem_shared>>
    tpu.enqueue_indirect_dma source(%dma_start3A_62 : memref<64x128xf32, #tpu.memory_space<vmem_shared>>) target(%dma_start3A_58 : memref<40x128xf32, #tpu.memory_space<vmem>>) offsets(%dma_start3A_59 : memref<40xi32, #tpu.memory_space<vmem>>) semaphore(%arg19 : memref<!tpu.dma_semaphore, #tpu.memory_space<semaphore_mem>>)
    %sub3A_63 = arith.subi %mul3A_2, %mul3A_2 : i32
    %add3A_64 = arith.constant 160 : i32
    %add3A_65 = arith.addi %sub3A_63, %add3A_64 : i32
    %dma_start3A_66 = arith.constant 160 : i32
    %dma_start3A_67 = arith.constant 0 : i32
    %dma_start3A_68 = tpu.memref_slice %arg12[%dma_start3A_66, %dma_start3A_67] : memref<400x128xf32, #tpu.memory_space<vmem>> -> memref<40x128xf32, #tpu.memory_space<vmem>>
    %dma_start3A_69 = tpu.memref_slice %arg11[%add3A_65] : memref<10000xi32, #tpu.memory_space<vmem>> -> memref<40xi32, #tpu.memory_space<vmem>>
    %dma_start3A_70 = arith.constant 0 : i32
    %dma_start3A_71 = arith.constant 0 : i32
    %dma_start3A_72 = tpu.memref_slice %arg18[%dma_start3A_70, %dma_start3A_71] : memref<64x128xf32, #tpu.memory_space<vmem_shared>> -> memref<64x128xf32, #tpu.memory_space<vmem_shared>>
    tpu.enqueue_indirect_dma source(%dma_start3A_72 : memref<64x128xf32, #tpu.memory_space<vmem_shared>>) target(%dma_start3A_68 : memref<40x128xf32, #tpu.memory_space<vmem>>) offsets(%dma_start3A_69 : memref<40xi32, #tpu.memory_space<vmem>>) semaphore(%arg19 : memref<!tpu.dma_semaphore, #tpu.memory_space<semaphore_mem>>)
    %add3A_73 = arith.constant 0 : i32
    %add3A_74 = arith.addi %mul3A_2, %add3A_73 : i32
    %add3A_75 = arith.constant 200 : i32
    %add3A_76 = arith.addi %add3A_74, %add3A_75 : i32
    %sub3A_77 = arith.subi %add3A_74, %mul3A_2 : i32
    %add3A_78 = arith.constant 0 : i32
    %add3A_79 = arith.addi %sub3A_77, %add3A_78 : i32
    %dma_wait3A_80 = arith.constant 0 : i32
    %dma_wait3A_81 = arith.constant 0 : i32
    %dma_wait3A_82 = tpu.memref_slice %arg12[%dma_wait3A_80, %dma_wait3A_81] : memref<400x128xf32, #tpu.memory_space<vmem>> -> memref<40x128xf32, #tpu.memory_space<vmem>>
    %dma_wait3A_83 = tpu.memref_slice %arg11[%add3A_79] : memref<10000xi32, #tpu.memory_space<vmem>> -> memref<40xi32, #tpu.memory_space<vmem>>
    %dma_wait3A_84 = arith.constant 0 : i32
    %dma_wait3A_85 = arith.constant 0 : i32
    %dma_wait3A_86 = tpu.memref_slice %arg18[%dma_wait3A_84, %dma_wait3A_85] : memref<64x128xf32, #tpu.memory_space<vmem_shared>> -> memref<64x128xf32, #tpu.memory_space<vmem_shared>>
    tpu.wait_indirect_dma semaphore(%arg19 : memref<!tpu.dma_semaphore, #tpu.memory_space<semaphore_mem>>) src(%dma_wait3A_86 : memref<64x128xf32, #tpu.memory_space<vmem_shared>>) dst(%dma_wait3A_82 : memref<40x128xf32, #tpu.memory_space<vmem>>)
    %sub3A_87 = arith.subi %add3A_74, %mul3A_2 : i32
    %add3A_88 = arith.constant 40 : i32
    %add3A_89 = arith.addi %sub3A_87, %add3A_88 : i32
    %dma_wait3A_90 = arith.constant 40 : i32
    %dma_wait3A_91 = arith.constant 0 : i32
    %dma_wait3A_92 = tpu.memref_slice %arg12[%dma_wait3A_90, %dma_wait3A_91] : memref<400x128xf32, #tpu.memory_space<vmem>> -> memref<40x128xf32, #tpu.memory_space<vmem>>
    %dma_wait3A_93 = tpu.memref_slice %arg11[%add3A_89] : memref<10000xi32, #tpu.memory_space<vmem>> -> memref<40xi32, #tpu.memory_space<vmem>>
    %dma_wait3A_94 = arith.constant 0 : i32
    %dma_wait3A_95 = arith.constant 0 : i32
    %dma_wait3A_96 = tpu.memref_slice %arg18[%dma_wait3A_94, %dma_wait3A_95] : memref<64x128xf32, #tpu.memory_space<vmem_shared>> -> memref<64x128xf32, #tpu.memory_space<vmem_shared>>
    tpu.wait_indirect_dma semaphore(%arg19 : memref<!tpu.dma_semaphore, #tpu.memory_space<semaphore_mem>>) src(%dma_wait3A_96 : memref<64x128xf32, #tpu.memory_space<vmem_shared>>) dst(%dma_wait3A_92 : memref<40x128xf32, #tpu.memory_space<vmem>>)
    %sub3A_97 = arith.subi %add3A_74, %mul3A_2 : i32
    %add3A_98 = arith.constant 80 : i32
    %add3A_99 = arith.addi %sub3A_97, %add3A_98 : i32
    %dma_wait3A_100 = arith.constant 80 : i32
    %dma_wait3A_101 = arith.constant 0 : i32
    %dma_wait3A_102 = tpu.memref_slice %arg12[%dma_wait3A_100, %dma_wait3A_101] : memref<400x128xf32, #tpu.memory_space<vmem>> -> memref<40x128xf32, #tpu.memory_space<vmem>>
    %dma_wait3A_103 = tpu.memref_slice %arg11[%add3A_99] : memref<10000xi32, #tpu.memory_space<vmem>> -> memref<40xi32, #tpu.memory_space<vmem>>
    %dma_wait3A_104 = arith.constant 0 : i32
    %dma_wait3A_105 = arith.constant 0 : i32
    %dma_wait3A_106 = tpu.memref_slice %arg18[%dma_wait3A_104, %dma_wait3A_105] : memref<64x128xf32, #tpu.memory_space<vmem_shared>> -> memref<64x128xf32, #tpu.memory_space<vmem_shared>>
    tpu.wait_indirect_dma semaphore(%arg19 : memref<!tpu.dma_semaphore, #tpu.memory_space<semaphore_mem>>) src(%dma_wait3A_106 : memref<64x128xf32, #tpu.memory_space<vmem_shared>>) dst(%dma_wait3A_102 : memref<40x128xf32, #tpu.memory_space<vmem>>)
    %sub3A_107 = arith.subi %add3A_74, %mul3A_2 : i32
    %add3A_108 = arith.constant 120 : i32
    %add3A_109 = arith.addi %sub3A_107, %add3A_108 : i32
    %dma_wait3A_110 = arith.constant 120 : i32
    %dma_wait3A_111 = arith.constant 0 : i32
    %dma_wait3A_112 = tpu.memref_slice %arg12[%dma_wait3A_110, %dma_wait3A_111] : memref<400x128xf32, #tpu.memory_space<vmem>> -> memref<40x128xf32, #tpu.memory_space<vmem>>
    %dma_wait3A_113 = tpu.memref_slice %arg11[%add3A_109] : memref<10000xi32, #tpu.memory_space<vmem>> -> memref<40xi32, #tpu.memory_space<vmem>>
    %dma_wait3A_114 = arith.constant 0 : i32
    %dma_wait3A_115 = arith.constant 0 : i32
    %dma_wait3A_116 = tpu.memref_slice %arg18[%dma_wait3A_114, %dma_wait3A_115] : memref<64x128xf32, #tpu.memory_space<vmem_shared>> -> memref<64x128xf32, #tpu.memory_space<vmem_shared>>
    tpu.wait_indirect_dma semaphore(%arg19 : memref<!tpu.dma_semaphore, #tpu.memory_space<semaphore_mem>>) src(%dma_wait3A_116 : memref<64x128xf32, #tpu.memory_space<vmem_shared>>) dst(%dma_wait3A_112 : memref<40x128xf32, #tpu.memory_space<vmem>>)
    %sub3A_117 = arith.subi %add3A_74, %mul3A_2 : i32
    %add3A_118 = arith.constant 160 : i32
    %add3A_119 = arith.addi %sub3A_117, %add3A_118 : i32
    %dma_wait3A_120 = arith.constant 160 : i32
    %dma_wait3A_121 = arith.constant 0 : i32
    %dma_wait3A_122 = tpu.memref_slice %arg12[%dma_wait3A_120, %dma_wait3A_121] : memref<400x128xf32, #tpu.memory_space<vmem>> -> memref<40x128xf32, #tpu.memory_space<vmem>>
    %dma_wait3A_123 = tpu.memref_slice %arg11[%add3A_119] : memref<10000xi32, #tpu.memory_space<vmem>> -> memref<40xi32, #tpu.memory_space<vmem>>
    %dma_wait3A_124 = arith.constant 0 : i32
    %dma_wait3A_125 = arith.constant 0 : i32
    %dma_wait3A_126 = tpu.memref_slice %arg18[%dma_wait3A_124, %dma_wait3A_125] : memref<64x128xf32, #tpu.memory_space<vmem_shared>> -> memref<64x128xf32, #tpu.memory_space<vmem_shared>>
    tpu.wait_indirect_dma semaphore(%arg19 : memref<!tpu.dma_semaphore, #tpu.memory_space<semaphore_mem>>) src(%dma_wait3A_126 : memref<64x128xf32, #tpu.memory_space<vmem_shared>>) dst(%dma_wait3A_122 : memref<40x128xf32, #tpu.memory_space<vmem>>)
    %sub3A_127 = arith.subi %add3A_76, %mul3A_2 : i32
    %add3A_128 = arith.constant 0 : i32
    %add3A_129 = arith.addi %sub3A_127, %add3A_128 : i32
    %dma_start3A_130 = arith.constant 200 : i32
    %dma_start3A_131 = arith.constant 0 : i32
    %dma_start3A_132 = tpu.memref_slice %arg12[%dma_start3A_130, %dma_start3A_131] : memref<400x128xf32, #tpu.memory_space<vmem>> -> memref<40x128xf32, #tpu.memory_space<vmem>>
    %dma_start3A_133 = tpu.memref_slice %arg11[%add3A_129] : memref<10000xi32, #tpu.memory_space<vmem>> -> memref<40xi32, #tpu.memory_space<vmem>>
    %dma_start3A_134 = arith.constant 0 : i32
    %dma_start3A_135 = arith.constant 0 : i32
    %dma_start3A_136 = tpu.memref_slice %arg18[%dma_start3A_134, %dma_start3A_135] : memref<64x128xf32, #tpu.memory_space<vmem_shared>> -> memref<64x128xf32, #tpu.memory_space<vmem_shared>>
    tpu.enqueue_indirect_dma source(%dma_start3A_136 : memref<64x128xf32, #tpu.memory_space<vmem_shared>>) target(%dma_start3A_132 : memref<40x128xf32, #tpu.memory_space<vmem>>) offsets(%dma_start3A_133 : memref<40xi32, #tpu.memory_space<vmem>>) semaphore(%arg20 : memref<!tpu.dma_semaphore, #tpu.memory_space<semaphore_mem>>)
    %sub3A_137 = arith.subi %add3A_76, %mul3A_2 : i32
    %add3A_138 = arith.constant 40 : i32
    %add3A_139 = arith.addi %sub3A_137, %add3A_138 : i32
    %dma_start3A_140 = arith.constant 240 : i32
    %dma_start3A_141 = arith.constant 0 : i32
    %dma_start3A_142 = tpu.memref_slice %arg12[%dma_start3A_140, %dma_start3A_141] : memref<400x128xf32, #tpu.memory_space<vmem>> -> memref<40x128xf32, #tpu.memory_space<vmem>>
    %dma_start3A_143 = tpu.memref_slice %arg11[%add3A_139] : memref<10000xi32, #tpu.memory_space<vmem>> -> memref<40xi32, #tpu.memory_space<vmem>>
    %dma_start3A_144 = arith.constant 0 : i32
    %dma_start3A_145 = arith.constant 0 : i32
    %dma_start3A_146 = tpu.memref_slice %arg18[%dma_start3A_144, %dma_start3A_145] : memref<64x128xf32, #tpu.memory_space<vmem_shared>> -> memref<64x128xf32, #tpu.memory_space<vmem_shared>>
    tpu.enqueue_indirect_dma source(%dma_start3A_146 : memref<64x128xf32, #tpu.memory_space<vmem_shared>>) target(%dma_start3A_142 : memref<40x128xf32, #tpu.memory_space<vmem>>) offsets(%dma_start3A_143 : memref<40xi32, #tpu.memory_space<vmem>>) semaphore(%arg20 : memref<!tpu.dma_semaphore, #tpu.memory_space<semaphore_mem>>)
    %sub3A_147 = arith.subi %add3A_76, %mul3A_2 : i32
    %add3A_148 = arith.constant 80 : i32
    %add3A_149 = arith.addi %sub3A_147, %add3A_148 : i32
    %dma_start3A_150 = arith.constant 280 : i32
    %dma_start3A_151 = arith.constant 0 : i32
    %dma_start3A_152 = tpu.memref_slice %arg12[%dma_start3A_150, %dma_start3A_151] : memref<400x128xf32, #tpu.memory_space<vmem>> -> memref<40x128xf32, #tpu.memory_space<vmem>>
    %dma_start3A_153 = tpu.memref_slice %arg11[%add3A_149] : memref<10000xi32, #tpu.memory_space<vmem>> -> memref<40xi32, #tpu.memory_space<vmem>>
    %dma_start3A_154 = arith.constant 0 : i32
    %dma_start3A_155 = arith.constant 0 : i32
    %dma_start3A_156 = tpu.memref_slice %arg18[%dma_start3A_154, %dma_start3A_155] : memref<64x128xf32, #tpu.memory_space<vmem_shared>> -> memref<64x128xf32, #tpu.memory_space<vmem_shared>>
    tpu.enqueue_indirect_dma source(%dma_start3A_156 : memref<64x128xf32, #tpu.memory_space<vmem_shared>>) target(%dma_start3A_152 : memref<40x128xf32, #tpu.memory_space<vmem>>) offsets(%dma_start3A_153 : memref<40xi32, #tpu.memory_space<vmem>>) semaphore(%arg20 : memref<!tpu.dma_semaphore, #tpu.memory_space<semaphore_mem>>)
    %sub3A_157 = arith.subi %add3A_76, %mul3A_2 : i32
    %add3A_158 = arith.constant 120 : i32
    %add3A_159 = arith.addi %sub3A_157, %add3A_158 : i32
    %dma_start3A_160 = arith.constant 320 : i32
    %dma_start3A_161 = arith.constant 0 : i32
    %dma_start3A_162 = tpu.memref_slice %arg12[%dma_start3A_160, %dma_start3A_161] : memref<400x128xf32, #tpu.memory_space<vmem>> -> memref<40x128xf32, #tpu.memory_space<vmem>>
    %dma_start3A_163 = tpu.memref_slice %arg11[%add3A_159] : memref<10000xi32, #tpu.memory_space<vmem>> -> memref<40xi32, #tpu.memory_space<vmem>>
    %dma_start3A_164 = arith.constant 0 : i32
    %dma_start3A_165 = arith.constant 0 : i32
    %dma_start3A_166 = tpu.memref_slice %arg18[%dma_start3A_164, %dma_start3A_165] : memref<64x128xf32, #tpu.memory_space<vmem_shared>> -> memref<64x128xf32, #tpu.memory_space<vmem_shared>>
    tpu.enqueue_indirect_dma source(%dma_start3A_166 : memref<64x128xf32, #tpu.memory_space<vmem_shared>>) target(%dma_start3A_162 : memref<40x128xf32, #tpu.memory_space<vmem>>) offsets(%dma_start3A_163 : memref<40xi32, #tpu.memory_space<vmem>>) semaphore(%arg20 : memref<!tpu.dma_semaphore, #tpu.memory_space<semaphore_mem>>)
    %sub3A_167 = arith.subi %add3A_76, %mul3A_2 : i32
    %add3A_168 = arith.constant 160 : i32
    %add3A_169 = arith.addi %sub3A_167, %add3A_168 : i32
    %dma_start3A_170 = arith.constant 360 : i32
    %dma_start3A_171 = arith.constant 0 : i32
    %dma_start3A_172 = tpu.memref_slice %arg12[%dma_start3A_170, %dma_start3A_171] : memref<400x128xf32, #tpu.memory_space<vmem>> -> memref<40x128xf32, #tpu.memory_space<vmem>>
    %dma_start3A_173 = tpu.memref_slice %arg11[%add3A_169] : memref<10000xi32, #tpu.memory_space<vmem>> -> memref<40xi32, #tpu.memory_space<vmem>>
    %dma_start3A_174 = arith.constant 0 : i32
    %dma_start3A_175 = arith.constant 0 : i32
    %dma_start3A_176 = tpu.memref_slice %arg18[%dma_start3A_174, %dma_start3A_175] : memref<64x128xf32, #tpu.memory_space<vmem_shared>> -> memref<64x128xf32, #tpu.memory_space<vmem_shared>>
    tpu.enqueue_indirect_dma source(%dma_start3A_176 : memref<64x128xf32, #tpu.memory_space<vmem_shared>>) target(%dma_start3A_172 : memref<40x128xf32, #tpu.memory_space<vmem>>) offsets(%dma_start3A_173 : memref<40xi32, #tpu.memory_space<vmem>>) semaphore(%arg20 : memref<!tpu.dma_semaphore, #tpu.memory_space<semaphore_mem>>)
    %dma_start3A_177 = arith.constant 0 : i32
    %dma_start3A_178 = arith.constant 0 : i32
    %dma_start3A_179 = tpu.memref_slice %arg12[%dma_start3A_177, %dma_start3A_178] : memref<400x128xf32, #tpu.memory_space<vmem>> -> memref<200x128xf32, #tpu.memory_space<vmem>>
    %dma_start3A_180 = arith.constant 0 : i32
    %dma_start3A_181 = tpu.memref_slice %arg7[%add3A_74, %dma_start3A_180] : memref<320000x128xf32, #tpu.memory_space<hbm>> -> memref<200x128xf32, #tpu.memory_space<hbm>>
    %dma_start3A_182 = arith.constant 0 : i32
    %dma_start3A_183 = tpu.memref_slice %arg7[%add3A_74, %dma_start3A_182] : memref<320000x128xf32, #tpu.memory_space<hbm>> -> memref<200x128xf32, #tpu.memory_space<hbm>>
    %dma_start3A_184 = arith.constant 0 : i32
    %dma_start3A_185 = arith.constant 0 : i32
    %dma_start3A_186 = tpu.memref_slice %arg12[%dma_start3A_184, %dma_start3A_185] : memref<400x128xf32, #tpu.memory_space<vmem>> -> memref<200x128xf32, #tpu.memory_space<vmem>>
    tpu.enqueue_dma source(%dma_start3A_186 : memref<200x128xf32, #tpu.memory_space<vmem>>) target(%dma_start3A_183 : memref<200x128xf32, #tpu.memory_space<hbm>>) target_semaphore(%arg21 : memref<!tpu.dma_semaphore, #tpu.memory_space<semaphore_mem>>)
    %scan3A_187 = arith.constant 0 : i32
    %scan3A_188 = arith.constant 0 : i32
    %scan3A_189 = arith.constant 25 : i32
    %scan3A_190 = arith.addi %scan3A_188, %scan3A_189 : i32
    %scan3A_191 = arith.constant 1 : i32
    scf.for %scan3A_525 = %scan3A_188 to %scan3A_190 step %scan3A_191  : i32 {
      %mul3A_526 = arith.constant 16 : i32
      %mul3A_527 = arith.muli %scan3A_525, %mul3A_526 : i32
      %add3A_528 = arith.constant 400 : i32
      %add3A_529 = arith.addi %add3A_528, %mul3A_527 : i32
      %get3A = arith.index_cast %add3A_529 : i32 to index
      %get3A_530 = tpu.vector_load %arg8[%get3A] {strides = array<i32>} : memref<10000xi32, #tpu.memory_space<vmem>>, vector<16xi32>,
      %get3A_531 = vector.shape_cast %get3A_530 : vector<16xi32> to vector<16xi32>
      %get3A_532 = arith.index_cast %add3A_529 : i32 to index
      %get3A_533 = tpu.vector_load %arg9[%get3A_532] {strides = array<i32>} : memref<10000xi32, #tpu.memory_space<vmem>>, vector<16xi32>,
      %get3A_534 = vector.shape_cast %get3A_533 : vector<16xi32> to vector<16xi32>
      %get3A_535 = arith.index_cast %add3A_529 : i32 to index
      %get3A_536 = tpu.vector_load %arg10[%get3A_535] {strides = array<i32>} : memref<10000xi32, #tpu.memory_space<vmem>>, vector<16xi32>,
      %get3A_537 = vector.shape_cast %get3A_536 : vector<16xi32> to vector<16xi32>
      %add3A_538 = arith.addi %get3A_531, %get3A_534 : vector<16xi32>
      %add3A_539 = arith.addi %add3A_538, %get3A_537 : vector<16xi32>
      %jit3A = arith.constant 0 : i32
      %jit3A_540 = arith.constant 4 : i32
      %max3A = vector.broadcast %jit3A : i32 to vector<16xi32>
      %max3A_541 = arith.maxsi %max3A, %get3A_531 : vector<16xi32>
      %min3A = vector.broadcast %jit3A_540 : i32 to vector<16xi32>
      %min3A_542 = arith.minsi %min3A, %max3A_541 : vector<16xi32>
      %mul3A_543 = arith.constant 12 : i32
      %mul3A_544 = vector.broadcast %mul3A_543 : i32 to vector<16xi32>
      %mul3A_545 = arith.muli %min3A_542, %mul3A_544 : vector<16xi32>
      %jit3A_546 = arith.constant 0 : i32
      %jit3A_547 = arith.constant 5 : i32
      %max3A_548 = vector.broadcast %jit3A_546 : i32 to vector<16xi32>
      %max3A_549 = arith.maxsi %max3A_548, %get3A_534 : vector<16xi32>
      %min3A_550 = vector.broadcast %jit3A_547 : i32 to vector<16xi32>
      %min3A_551 = arith.minsi %min3A_550, %max3A_549 : vector<16xi32>
      %mul3A_552 = arith.constant 2 : i32
      %mul3A_553 = vector.broadcast %mul3A_552 : i32 to vector<16xi32>
      %mul3A_554 = arith.muli %min3A_551, %mul3A_553 : vector<16xi32>
      %add3A_555 = arith.addi %mul3A_545, %mul3A_554 : vector<16xi32>
      %jit3A_556 = arith.constant 0 : i32
      %jit3A_557 = arith.constant 1 : i32
      %max3A_558 = vector.broadcast %jit3A_556 : i32 to vector<16xi32>
      %max3A_559 = arith.maxsi %max3A_558, %get3A_537 : vector<16xi32>
      %min3A_560 = vector.broadcast %jit3A_557 : i32 to vector<16xi32>
      %min3A_561 = arith.minsi %min3A_560, %max3A_559 : vector<16xi32>
      %add3A_562 = arith.addi %add3A_555, %min3A_561 : vector<16xi32>
      %ge3A = arith.constant 0 : i32
      %ge3A_563 = vector.broadcast %ge3A : i32 to vector<16xi32>
      %ge3A_564 = arith.cmpi sge, %add3A_539, %ge3A_563 : vector<16xi32>
      %eq3A_565 = arith.constant -3 : i32
      %eq3A_566 = vector.broadcast %eq3A_565 : i32 to vector<16xi32>
      %eq3A_567 = arith.cmpi eq, %add3A_539, %eq3A_566 : vector<16xi32>
      %broadcast_in_dim3A = arith.constant 60 : i32
      %broadcast_in_dim3A_568 = vector.broadcast %broadcast_in_dim3A : i32 to vector<16xi32>
      %broadcast_in_dim3A_569 = arith.constant 61 : i32
      %broadcast_in_dim3A_570 = vector.broadcast %broadcast_in_dim3A_569 : i32 to vector<16xi32>
      %select_n3A = arith.select %eq3A_567, %broadcast_in_dim3A_568, %broadcast_in_dim3A_570 : vector<16xi1>, vector<16xi32>
      %select_n3A_571 = arith.select %ge3A_564, %add3A_562, %select_n3A : vector<16xi1>, vector<16xi32>
      %swap3A = arith.index_cast %add3A_529 : i32 to index
      %swap3A_572 = tpu.vector_load %arg11[%swap3A] {strides = array<i32>} : memref<10000xi32, #tpu.memory_space<vmem>>, vector<16xi32>,
      %swap3A_573 = vector.shape_cast %swap3A_572 : vector<16xi32> to vector<16xi32>
      %swap3A_574 = vector.shape_cast %select_n3A_571 : vector<16xi32> to vector<16xi32>
      tpu.vector_store %arg11[%swap3A], %swap3A_574 {strides = array<i32>} : memref<10000xi32, #tpu.memory_space<vmem>>, vector<16xi32>,
    }
    %scan3A_192 = arith.constant 25 : i32
    %dma_wait3A_193 = arith.constant 0 : i32
    %dma_wait3A_194 = arith.constant 0 : i32
    %dma_wait3A_195 = tpu.memref_slice %arg12[%dma_wait3A_193, %dma_wait3A_194] : memref<400x128xf32, #tpu.memory_space<vmem>> -> memref<200x128xf32, #tpu.memory_space<vmem>>
    %dma_wait3A_196 = arith.constant 0 : i32
    %dma_wait3A_197 = tpu.memref_slice %arg7[%add3A_74, %dma_wait3A_196] : memref<320000x128xf32, #tpu.memory_space<hbm>> -> memref<200x128xf32, #tpu.memory_space<hbm>>
    %dma_wait3A_198 = arith.constant 0 : i32
    %dma_wait3A_199 = tpu.memref_slice %arg7[%add3A_74, %dma_wait3A_198] : memref<320000x128xf32, #tpu.memory_space<hbm>> -> memref<200x128xf32, #tpu.memory_space<hbm>>
    %dma_wait3A_200 = arith.constant 0 : i32
    %dma_wait3A_201 = arith.constant 0 : i32
    %dma_wait3A_202 = tpu.memref_slice %arg12[%dma_wait3A_200, %dma_wait3A_201] : memref<400x128xf32, #tpu.memory_space<vmem>> -> memref<200x128xf32, #tpu.memory_space<vmem>>
    tpu.wait_dma2 semaphore(%arg21 : memref<!tpu.dma_semaphore, #tpu.memory_space<semaphore_mem>>) src(%dma_wait3A_202 : memref<200x128xf32, #tpu.memory_space<vmem>>) dst(%dma_wait3A_199 : memref<200x128xf32, #tpu.memory_space<hbm>>)
    %add3A_203 = arith.constant 400 : i32
    %add3A_204 = arith.addi %add3A_74, %add3A_203 : i32
    %sub3A_205 = arith.subi %add3A_204, %mul3A_2 : i32
    %add3A_206 = arith.constant 0 : i32
    %add3A_207 = arith.addi %sub3A_205, %add3A_206 : i32
    %dma_start3A_208 = arith.constant 0 : i32
    %dma_start3A_209 = arith.constant 0 : i32
    %dma_start3A_210 = tpu.memref_slice %arg12[%dma_start3A_208, %dma_start3A_209] : memref<400x128xf32, #tpu.memory_space<vmem>> -> memref<40x128xf32, #tpu.memory_space<vmem>>
    %dma_start3A_211 = tpu.memref_slice %arg11[%add3A_207] : memref<10000xi32, #tpu.memory_space<vmem>> -> memref<40xi32, #tpu.memory_space<vmem>>
    %dma_start3A_212 = arith.constant 0 : i32
    %dma_start3A_213 = arith.constant 0 : i32
    %dma_start3A_214 = tpu.memref_slice %arg18[%dma_start3A_212, %dma_start3A_213] : memref<64x128xf32, #tpu.memory_space<vmem_shared>> -> memref<64x128xf32, #tpu.memory_space<vmem_shared>>
    tpu.enqueue_indirect_dma source(%dma_start3A_214 : memref<64x128xf32, #tpu.memory_space<vmem_shared>>) target(%dma_start3A_210 : memref<40x128xf32, #tpu.memory_space<vmem>>) offsets(%dma_start3A_211 : memref<40xi32, #tpu.memory_space<vmem>>) semaphore(%arg19 : memref<!tpu.dma_semaphore, #tpu.memory_space<semaphore_mem>>)
    %sub3A_215 = arith.subi %add3A_204, %mul3A_2 : i32
    %add3A_216 = arith.constant 40 : i32
    %add3A_217 = arith.addi %sub3A_215, %add3A_216 : i32
    %dma_start3A_218 = arith.constant 40 : i32
    %dma_start3A_219 = arith.constant 0 : i32
    %dma_start3A_220 = tpu.memref_slice %arg12[%dma_start3A_218, %dma_start3A_219] : memref<400x128xf32, #tpu.memory_space<vmem>> -> memref<40x128xf32, #tpu.memory_space<vmem>>
    %dma_start3A_221 = tpu.memref_slice %arg11[%add3A_217] : memref<10000xi32, #tpu.memory_space<vmem>> -> memref<40xi32, #tpu.memory_space<vmem>>
    %dma_start3A_222 = arith.constant 0 : i32
    %dma_start3A_223 = arith.constant 0 : i32
    %dma_start3A_224 = tpu.memref_slice %arg18[%dma_start3A_222, %dma_start3A_223] : memref<64x128xf32, #tpu.memory_space<vmem_shared>> -> memref<64x128xf32, #tpu.memory_space<vmem_shared>>
    tpu.enqueue_indirect_dma source(%dma_start3A_224 : memref<64x128xf32, #tpu.memory_space<vmem_shared>>) target(%dma_start3A_220 : memref<40x128xf32, #tpu.memory_space<vmem>>) offsets(%dma_start3A_221 : memref<40xi32, #tpu.memory_space<vmem>>) semaphore(%arg19 : memref<!tpu.dma_semaphore, #tpu.memory_space<semaphore_mem>>)
    %sub3A_225 = arith.subi %add3A_204, %mul3A_2 : i32
    %add3A_226 = arith.constant 80 : i32
    %add3A_227 = arith.addi %sub3A_225, %add3A_226 : i32
    %dma_start3A_228 = arith.constant 80 : i32
    %dma_start3A_229 = arith.constant 0 : i32
    %dma_start3A_230 = tpu.memref_slice %arg12[%dma_start3A_228, %dma_start3A_229] : memref<400x128xf32, #tpu.memory_space<vmem>> -> memref<40x128xf32, #tpu.memory_space<vmem>>
    %dma_start3A_231 = tpu.memref_slice %arg11[%add3A_227] : memref<10000xi32, #tpu.memory_space<vmem>> -> memref<40xi32, #tpu.memory_space<vmem>>
    %dma_start3A_232 = arith.constant 0 : i32
    %dma_start3A_233 = arith.constant 0 : i32
    %dma_start3A_234 = tpu.memref_slice %arg18[%dma_start3A_232, %dma_start3A_233] : memref<64x128xf32, #tpu.memory_space<vmem_shared>> -> memref<64x128xf32, #tpu.memory_space<vmem_shared>>
    tpu.enqueue_indirect_dma source(%dma_start3A_234 : memref<64x128xf32, #tpu.memory_space<vmem_shared>>) target(%dma_start3A_230 : memref<40x128xf32, #tpu.memory_space<vmem>>) offsets(%dma_start3A_231 : memref<40xi32, #tpu.memory_space<vmem>>) semaphore(%arg19 : memref<!tpu.dma_semaphore, #tpu.memory_space<semaphore_mem>>)
    %sub3A_235 = arith.subi %add3A_204, %mul3A_2 : i32
    %add3A_236 = arith.constant 120 : i32
    %add3A_237 = arith.addi %sub3A_235, %add3A_236 : i32
    %dma_start3A_238 = arith.constant 120 : i32
    %dma_start3A_239 = arith.constant 0 : i32
    %dma_start3A_240 = tpu.memref_slice %arg12[%dma_start3A_238, %dma_start3A_239] : memref<400x128xf32, #tpu.memory_space<vmem>> -> memref<40x128xf32, #tpu.memory_space<vmem>>
    %dma_start3A_241 = tpu.memref_slice %arg11[%add3A_237] : memref<10000xi32, #tpu.memory_space<vmem>> -> memref<40xi32, #tpu.memory_space<vmem>>
    %dma_start3A_242 = arith.constant 0 : i32
    %dma_start3A_243 = arith.constant 0 : i32
    %dma_start3A_244 = tpu.memref_slice %arg18[%dma_start3A_242, %dma_start3A_243] : memref<64x128xf32, #tpu.memory_space<vmem_shared>> -> memref<64x128xf32, #tpu.memory_space<vmem_shared>>
    tpu.enqueue_indirect_dma source(%dma_start3A_244 : memref<64x128xf32, #tpu.memory_space<vmem_shared>>) target(%dma_start3A_240 : memref<40x128xf32, #tpu.memory_space<vmem>>) offsets(%dma_start3A_241 : memref<40xi32, #tpu.memory_space<vmem>>) semaphore(%arg19 : memref<!tpu.dma_semaphore, #tpu.memory_space<semaphore_mem>>)
    %sub3A_245 = arith.subi %add3A_204, %mul3A_2 : i32
    %add3A_246 = arith.constant 160 : i32
    %add3A_247 = arith.addi %sub3A_245, %add3A_246 : i32
    %dma_start3A_248 = arith.constant 160 : i32
    %dma_start3A_249 = arith.constant 0 : i32
    %dma_start3A_250 = tpu.memref_slice %arg12[%dma_start3A_248, %dma_start3A_249] : memref<400x128xf32, #tpu.memory_space<vmem>> -> memref<40x128xf32, #tpu.memory_space<vmem>>
    %dma_start3A_251 = tpu.memref_slice %arg11[%add3A_247] : memref<10000xi32, #tpu.memory_space<vmem>> -> memref<40xi32, #tpu.memory_space<vmem>>
    %dma_start3A_252 = arith.constant 0 : i32
    %dma_start3A_253 = arith.constant 0 : i32
    %dma_start3A_254 = tpu.memref_slice %arg18[%dma_start3A_252, %dma_start3A_253] : memref<64x128xf32, #tpu.memory_space<vmem_shared>> -> memref<64x128xf32, #tpu.memory_space<vmem_shared>>
    tpu.enqueue_indirect_dma source(%dma_start3A_254 : memref<64x128xf32, #tpu.memory_space<vmem_shared>>) target(%dma_start3A_250 : memref<40x128xf32, #tpu.memory_space<vmem>>) offsets(%dma_start3A_251 : memref<40xi32, #tpu.memory_space<vmem>>) semaphore(%arg19 : memref<!tpu.dma_semaphore, #tpu.memory_space<semaphore_mem>>)
    %sub3A_255 = arith.subi %add3A_76, %mul3A_2 : i32
    %add3A_256 = arith.constant 0 : i32
    %add3A_257 = arith.addi %sub3A_255, %add3A_256 : i32
    %dma_wait3A_258 = arith.constant 200 : i32
    %dma_wait3A_259 = arith.constant 0 : i32
    %dma_wait3A_260 = tpu.memref_slice %arg12[%dma_wait3A_258, %dma_wait3A_259] : memref<400x128xf32, #tpu.memory_space<vmem>> -> memref<40x128xf32, #tpu.memory_space<vmem>>
    %dma_wait3A_261 = tpu.memref_slice %arg11[%add3A_257] : memref<10000xi32, #tpu.memory_space<vmem>> -> memref<40xi32, #tpu.memory_space<vmem>>
    %dma_wait3A_262 = arith.constant 0 : i32
    %dma_wait3A_263 = arith.constant 0 : i32
    %dma_wait3A_264 = tpu.memref_slice %arg18[%dma_wait3A_262, %dma_wait3A_263] : memref<64x128xf32, #tpu.memory_space<vmem_shared>> -> memref<64x128xf32, #tpu.memory_space<vmem_shared>>
    tpu.wait_indirect_dma semaphore(%arg20 : memref<!tpu.dma_semaphore, #tpu.memory_space<semaphore_mem>>) src(%dma_wait3A_264 : memref<64x128xf32, #tpu.memory_space<vmem_shared>>) dst(%dma_wait3A_260 : memref<40x128xf32, #tpu.memory_space<vmem>>)
    %sub3A_265 = arith.subi %add3A_76, %mul3A_2 : i32
    %add3A_266 = arith.constant 40 : i32
    %add3A_267 = arith.addi %sub3A_265, %add3A_266 : i32
    %dma_wait3A_268 = arith.constant 240 : i32
    %dma_wait3A_269 = arith.constant 0 : i32
    %dma_wait3A_270 = tpu.memref_slice %arg12[%dma_wait3A_268, %dma_wait3A_269] : memref<400x128xf32, #tpu.memory_space<vmem>> -> memref<40x128xf32, #tpu.memory_space<vmem>>
    %dma_wait3A_271 = tpu.memref_slice %arg11[%add3A_267] : memref<10000xi32, #tpu.memory_space<vmem>> -> memref<40xi32, #tpu.memory_space<vmem>>
    %dma_wait3A_272 = arith.constant 0 : i32
    %dma_wait3A_273 = arith.constant 0 : i32
    %dma_wait3A_274 = tpu.memref_slice %arg18[%dma_wait3A_272, %dma_wait3A_273] : memref<64x128xf32, #tpu.memory_space<vmem_shared>> -> memref<64x128xf32, #tpu.memory_space<vmem_shared>>
    tpu.wait_indirect_dma semaphore(%arg20 : memref<!tpu.dma_semaphore, #tpu.memory_space<semaphore_mem>>) src(%dma_wait3A_274 : memref<64x128xf32, #tpu.memory_space<vmem_shared>>) dst(%dma_wait3A_270 : memref<40x128xf32, #tpu.memory_space<vmem>>)
    %sub3A_275 = arith.subi %add3A_76, %mul3A_2 : i32
    %add3A_276 = arith.constant 80 : i32
    %add3A_277 = arith.addi %sub3A_275, %add3A_276 : i32
    %dma_wait3A_278 = arith.constant 280 : i32
    %dma_wait3A_279 = arith.constant 0 : i32
    %dma_wait3A_280 = tpu.memref_slice %arg12[%dma_wait3A_278, %dma_wait3A_279] : memref<400x128xf32, #tpu.memory_space<vmem>> -> memref<40x128xf32, #tpu.memory_space<vmem>>
    %dma_wait3A_281 = tpu.memref_slice %arg11[%add3A_277] : memref<10000xi32, #tpu.memory_space<vmem>> -> memref<40xi32, #tpu.memory_space<vmem>>
    %dma_wait3A_282 = arith.constant 0 : i32
    %dma_wait3A_283 = arith.constant 0 : i32
    %dma_wait3A_284 = tpu.memref_slice %arg18[%dma_wait3A_282, %dma_wait3A_283] : memref<64x128xf32, #tpu.memory_space<vmem_shared>> -> memref<64x128xf32, #tpu.memory_space<vmem_shared>>
    tpu.wait_indirect_dma semaphore(%arg20 : memref<!tpu.dma_semaphore, #tpu.memory_space<semaphore_mem>>) src(%dma_wait3A_284 : memref<64x128xf32, #tpu.memory_space<vmem_shared>>) dst(%dma_wait3A_280 : memref<40x128xf32, #tpu.memory_space<vmem>>)
    %sub3A_285 = arith.subi %add3A_76, %mul3A_2 : i32
    %add3A_286 = arith.constant 120 : i32
    %add3A_287 = arith.addi %sub3A_285, %add3A_286 : i32
    %dma_wait3A_288 = arith.constant 320 : i32
    %dma_wait3A_289 = arith.constant 0 : i32
    %dma_wait3A_290 = tpu.memref_slice %arg12[%dma_wait3A_288, %dma_wait3A_289] : memref<400x128xf32, #tpu.memory_space<vmem>> -> memref<40x128xf32, #tpu.memory_space<vmem>>
    %dma_wait3A_291 = tpu.memref_slice %arg11[%add3A_287] : memref<10000xi32, #tpu.memory_space<vmem>> -> memref<40xi32, #tpu.memory_space<vmem>>
    %dma_wait3A_292 = arith.constant 0 : i32
    %dma_wait3A_293 = arith.constant 0 : i32
    %dma_wait3A_294 = tpu.memref_slice %arg18[%dma_wait3A_292, %dma_wait3A_293] : memref<64x128xf32, #tpu.memory_space<vmem_shared>> -> memref<64x128xf32, #tpu.memory_space<vmem_shared>>
    tpu.wait_indirect_dma semaphore(%arg20 : memref<!tpu.dma_semaphore, #tpu.memory_space<semaphore_mem>>) src(%dma_wait3A_294 : memref<64x128xf32, #tpu.memory_space<vmem_shared>>) dst(%dma_wait3A_290 : memref<40x128xf32, #tpu.memory_space<vmem>>)
    %sub3A_295 = arith.subi %add3A_76, %mul3A_2 : i32
    %add3A_296 = arith.constant 160 : i32
    %add3A_297 = arith.addi %sub3A_295, %add3A_296 : i32
    %dma_wait3A_298 = arith.constant 360 : i32
    %dma_wait3A_299 = arith.constant 0 : i32
    %dma_wait3A_300 = tpu.memref_slice %arg12[%dma_wait3A_298, %dma_wait3A_299] : memref<400x128xf32, #tpu.memory_space<vmem>> -> memref<40x128xf32, #tpu.memory_space<vmem>>
    %dma_wait3A_301 = tpu.memref_slice %arg11[%add3A_297] : memref<10000xi32, #tpu.memory_space<vmem>> -> memref<40xi32, #tpu.memory_space<vmem>>
    %dma_wait3A_302 = arith.constant 0 : i32
    %dma_wait3A_303 = arith.constant 0 : i32
    %dma_wait3A_304 = tpu.memref_slice %arg18[%dma_wait3A_302, %dma_wait3A_303] : memref<64x128xf32, #tpu.memory_space<vmem_shared>> -> memref<64x128xf32, #tpu.memory_space<vmem_shared>>
    tpu.wait_indirect_dma semaphore(%arg20 : memref<!tpu.dma_semaphore, #tpu.memory_space<semaphore_mem>>) src(%dma_wait3A_304 : memref<64x128xf32, #tpu.memory_space<vmem_shared>>) dst(%dma_wait3A_300 : memref<40x128xf32, #tpu.memory_space<vmem>>)
    %dma_start3A_305 = arith.constant 200 : i32
    %dma_start3A_306 = arith.constant 0 : i32
    %dma_start3A_307 = tpu.memref_slice %arg12[%dma_start3A_305, %dma_start3A_306] : memref<400x128xf32, #tpu.memory_space<vmem>> -> memref<200x128xf32, #tpu.memory_space<vmem>>
    %dma_start3A_308 = arith.constant 0 : i32
    %dma_start3A_309 = tpu.memref_slice %arg7[%add3A_76, %dma_start3A_308] : memref<320000x128xf32, #tpu.memory_space<hbm>> -> memref<200x128xf32, #tpu.memory_space<hbm>>
    %dma_start3A_310 = arith.constant 0 : i32
    %dma_start3A_311 = tpu.memref_slice %arg7[%add3A_76, %dma_start3A_310] : memref<320000x128xf32, #tpu.memory_space<hbm>> -> memref<200x128xf32, #tpu.memory_space<hbm>>
    %dma_start3A_312 = arith.constant 200 : i32
    %dma_start3A_313 = arith.constant 0 : i32
    %dma_start3A_314 = tpu.memref_slice %arg12[%dma_start3A_312, %dma_start3A_313] : memref<400x128xf32, #tpu.memory_space<vmem>> -> memref<200x128xf32, #tpu.memory_space<vmem>>
    tpu.enqueue_dma source(%dma_start3A_314 : memref<200x128xf32, #tpu.memory_space<vmem>>) target(%dma_start3A_311 : memref<200x128xf32, #tpu.memory_space<hbm>>) target_semaphore(%arg22 : memref<!tpu.dma_semaphore, #tpu.memory_space<semaphore_mem>>)
    %scan3A_315 = arith.constant 0 : i32
    %scan3A_316 = arith.constant 1 : i32
    %scan3A_317 = arith.constant 23 : i32
    %scan3A_318 = arith.addi %scan3A_316, %scan3A_317 : i32
    %scan3A_319 = arith.constant 1 : i32
    scf.for %scan3A_525 = %scan3A_316 to %scan3A_318 step %scan3A_319  : i32 {
      %mul3A_526 = arith.constant 400 : i32
      %mul3A_527 = arith.muli %scan3A_525, %mul3A_526 : i32
      %add3A_528 = arith.addi %mul3A_2, %mul3A_527 : i32
      %add3A_529 = arith.constant 200 : i32
      %add3A_530 = arith.addi %add3A_528, %add3A_529 : i32
      %sub3A_531 = arith.subi %add3A_528, %mul3A_2 : i32
      %add3A_532 = arith.constant 0 : i32
      %add3A_533 = arith.addi %sub3A_531, %add3A_532 : i32
      %dma_wait3A_534 = arith.constant 0 : i32
      %dma_wait3A_535 = arith.constant 0 : i32
      %dma_wait3A_536 = tpu.memref_slice %arg12[%dma_wait3A_534, %dma_wait3A_535] : memref<400x128xf32, #tpu.memory_space<vmem>> -> memref<40x128xf32, #tpu.memory_space<vmem>>
      %dma_wait3A_537 = tpu.memref_slice %arg11[%add3A_533] : memref<10000xi32, #tpu.memory_space<vmem>> -> memref<40xi32, #tpu.memory_space<vmem>>
      %dma_wait3A_538 = arith.constant 0 : i32
      %dma_wait3A_539 = arith.constant 0 : i32
      %dma_wait3A_540 = tpu.memref_slice %arg18[%dma_wait3A_538, %dma_wait3A_539] : memref<64x128xf32, #tpu.memory_space<vmem_shared>> -> memref<64x128xf32, #tpu.memory_space<vmem_shared>>
      tpu.wait_indirect_dma semaphore(%arg19 : memref<!tpu.dma_semaphore, #tpu.memory_space<semaphore_mem>>) src(%dma_wait3A_540 : memref<64x128xf32, #tpu.memory_space<vmem_shared>>) dst(%dma_wait3A_536 : memref<40x128xf32, #tpu.memory_space<vmem>>)
      %sub3A_541 = arith.subi %add3A_528, %mul3A_2 : i32
      %add3A_542 = arith.constant 40 : i32
      %add3A_543 = arith.addi %sub3A_541, %add3A_542 : i32
      %dma_wait3A_544 = arith.constant 40 : i32
      %dma_wait3A_545 = arith.constant 0 : i32
      %dma_wait3A_546 = tpu.memref_slice %arg12[%dma_wait3A_544, %dma_wait3A_545] : memref<400x128xf32, #tpu.memory_space<vmem>> -> memref<40x128xf32, #tpu.memory_space<vmem>>
      %dma_wait3A_547 = tpu.memref_slice %arg11[%add3A_543] : memref<10000xi32, #tpu.memory_space<vmem>> -> memref<40xi32, #tpu.memory_space<vmem>>
      %dma_wait3A_548 = arith.constant 0 : i32
      %dma_wait3A_549 = arith.constant 0 : i32
      %dma_wait3A_550 = tpu.memref_slice %arg18[%dma_wait3A_548, %dma_wait3A_549] : memref<64x128xf32, #tpu.memory_space<vmem_shared>> -> memref<64x128xf32, #tpu.memory_space<vmem_shared>>
      tpu.wait_indirect_dma semaphore(%arg19 : memref<!tpu.dma_semaphore, #tpu.memory_space<semaphore_mem>>) src(%dma_wait3A_550 : memref<64x128xf32, #tpu.memory_space<vmem_shared>>) dst(%dma_wait3A_546 : memref<40x128xf32, #tpu.memory_space<vmem>>)
      %sub3A_551 = arith.subi %add3A_528, %mul3A_2 : i32
      %add3A_552 = arith.constant 80 : i32
      %add3A_553 = arith.addi %sub3A_551, %add3A_552 : i32
      %dma_wait3A_554 = arith.constant 80 : i32
      %dma_wait3A_555 = arith.constant 0 : i32
      %dma_wait3A_556 = tpu.memref_slice %arg12[%dma_wait3A_554, %dma_wait3A_555] : memref<400x128xf32, #tpu.memory_space<vmem>> -> memref<40x128xf32, #tpu.memory_space<vmem>>
      %dma_wait3A_557 = tpu.memref_slice %arg11[%add3A_553] : memref<10000xi32, #tpu.memory_space<vmem>> -> memref<40xi32, #tpu.memory_space<vmem>>
      %dma_wait3A_558 = arith.constant 0 : i32
      %dma_wait3A_559 = arith.constant 0 : i32
      %dma_wait3A_560 = tpu.memref_slice %arg18[%dma_wait3A_558, %dma_wait3A_559] : memref<64x128xf32, #tpu.memory_space<vmem_shared>> -> memref<64x128xf32, #tpu.memory_space<vmem_shared>>
      tpu.wait_indirect_dma semaphore(%arg19 : memref<!tpu.dma_semaphore, #tpu.memory_space<semaphore_mem>>) src(%dma_wait3A_560 : memref<64x128xf32, #tpu.memory_space<vmem_shared>>) dst(%dma_wait3A_556 : memref<40x128xf32, #tpu.memory_space<vmem>>)
      %sub3A_561 = arith.subi %add3A_528, %mul3A_2 : i32
      %add3A_562 = arith.constant 120 : i32
      %add3A_563 = arith.addi %sub3A_561, %add3A_562 : i32
      %dma_wait3A_564 = arith.constant 120 : i32
      %dma_wait3A_565 = arith.constant 0 : i32
      %dma_wait3A_566 = tpu.memref_slice %arg12[%dma_wait3A_564, %dma_wait3A_565] : memref<400x128xf32, #tpu.memory_space<vmem>> -> memref<40x128xf32, #tpu.memory_space<vmem>>
      %dma_wait3A_567 = tpu.memref_slice %arg11[%add3A_563] : memref<10000xi32, #tpu.memory_space<vmem>> -> memref<40xi32, #tpu.memory_space<vmem>>
      %dma_wait3A_568 = arith.constant 0 : i32
      %dma_wait3A_569 = arith.constant 0 : i32
      %dma_wait3A_570 = tpu.memref_slice %arg18[%dma_wait3A_568, %dma_wait3A_569] : memref<64x128xf32, #tpu.memory_space<vmem_shared>> -> memref<64x128xf32, #tpu.memory_space<vmem_shared>>
      tpu.wait_indirect_dma semaphore(%arg19 : memref<!tpu.dma_semaphore, #tpu.memory_space<semaphore_mem>>) src(%dma_wait3A_570 : memref<64x128xf32, #tpu.memory_space<vmem_shared>>) dst(%dma_wait3A_566 : memref<40x128xf32, #tpu.memory_space<vmem>>)
      %sub3A_571 = arith.subi %add3A_528, %mul3A_2 : i32
      %add3A_572 = arith.constant 160 : i32
      %add3A_573 = arith.addi %sub3A_571, %add3A_572 : i32
      %dma_wait3A_574 = arith.constant 160 : i32
      %dma_wait3A_575 = arith.constant 0 : i32
      %dma_wait3A_576 = tpu.memref_slice %arg12[%dma_wait3A_574, %dma_wait3A_575] : memref<400x128xf32, #tpu.memory_space<vmem>> -> memref<40x128xf32, #tpu.memory_space<vmem>>
      %dma_wait3A_577 = tpu.memref_slice %arg11[%add3A_573] : memref<10000xi32, #tpu.memory_space<vmem>> -> memref<40xi32, #tpu.memory_space<vmem>>
      %dma_wait3A_578 = arith.constant 0 : i32
      %dma_wait3A_579 = arith.constant 0 : i32
      %dma_wait3A_580 = tpu.memref_slice %arg18[%dma_wait3A_578, %dma_wait3A_579] : memref<64x128xf32, #tpu.memory_space<vmem_shared>> -> memref<64x128xf32, #tpu.memory_space<vmem_shared>>
      tpu.wait_indirect_dma semaphore(%arg19 : memref<!tpu.dma_semaphore, #tpu.memory_space<semaphore_mem>>) src(%dma_wait3A_580 : memref<64x128xf32, #tpu.memory_space<vmem_shared>>) dst(%dma_wait3A_576 : memref<40x128xf32, #tpu.memory_space<vmem>>)
      %dma_wait3A_581 = arith.constant 200 : i32
      %dma_wait3A_582 = arith.constant 0 : i32
      %dma_wait3A_583 = tpu.memref_slice %arg12[%dma_wait3A_581, %dma_wait3A_582] : memref<400x128xf32, #tpu.memory_space<vmem>> -> memref<200x128xf32, #tpu.memory_space<vmem>>
      %dma_wait3A_584 = arith.constant 0 : i32
      %dma_wait3A_585 = tpu.memref_slice %arg7[%add3A_530, %dma_wait3A_584] : memref<320000x128xf32, #tpu.memory_space<hbm>> -> memref<200x128xf32, #tpu.memory_space<hbm>>
      %dma_wait3A_586 = arith.constant 0 : i32
      %dma_wait3A_587 = tpu.memref_slice %arg7[%add3A_530, %dma_wait3A_586] : memref<320000x128xf32, #tpu.memory_space<hbm>> -> memref<200x128xf32, #tpu.memory_space<hbm>>
      %dma_wait3A_588 = arith.constant 200 : i32
      %dma_wait3A_589 = arith.constant 0 : i32
      %dma_wait3A_590 = tpu.memref_slice %arg12[%dma_wait3A_588, %dma_wait3A_589] : memref<400x128xf32, #tpu.memory_space<vmem>> -> memref<200x128xf32, #tpu.memory_space<vmem>>
      tpu.wait_dma2 semaphore(%arg22 : memref<!tpu.dma_semaphore, #tpu.memory_space<semaphore_mem>>) src(%dma_wait3A_590 : memref<200x128xf32, #tpu.memory_space<vmem>>) dst(%dma_wait3A_587 : memref<200x128xf32, #tpu.memory_space<hbm>>)
      %sub3A_591 = arith.subi %add3A_530, %mul3A_2 : i32
      %add3A_592 = arith.constant 0 : i32
      %add3A_593 = arith.addi %sub3A_591, %add3A_592 : i32
      %dma_start3A_594 = arith.constant 200 : i32
      %dma_start3A_595 = arith.constant 0 : i32
      %dma_start3A_596 = tpu.memref_slice %arg12[%dma_start3A_594, %dma_start3A_595] : memref<400x128xf32, #tpu.memory_space<vmem>> -> memref<40x128xf32, #tpu.memory_space<vmem>>
      %dma_start3A_597 = tpu.memref_slice %arg11[%add3A_593] : memref<10000xi32, #tpu.memory_space<vmem>> -> memref<40xi32, #tpu.memory_space<vmem>>
      %dma_start3A_598 = arith.constant 0 : i32
      %dma_start3A_599 = arith.constant 0 : i32
      %dma_start3A_600 = tpu.memref_slice %arg18[%dma_start3A_598, %dma_start3A_599] : memref<64x128xf32, #tpu.memory_space<vmem_shared>> -> memref<64x128xf32, #tpu.memory_space<vmem_shared>>
      tpu.enqueue_indirect_dma source(%dma_start3A_600 : memref<64x128xf32, #tpu.memory_space<vmem_shared>>) target(%dma_start3A_596 : memref<40x128xf32, #tpu.memory_space<vmem>>) offsets(%dma_start3A_597 : memref<40xi32, #tpu.memory_space<vmem>>) semaphore(%arg20 : memref<!tpu.dma_semaphore, #tpu.memory_space<semaphore_mem>>)
      %sub3A_601 = arith.subi %add3A_530, %mul3A_2 : i32
      %add3A_602 = arith.constant 40 : i32
      %add3A_603 = arith.addi %sub3A_601, %add3A_602 : i32
      %dma_start3A_604 = arith.constant 240 : i32
      %dma_start3A_605 = arith.constant 0 : i32
      %dma_start3A_606 = tpu.memref_slice %arg12[%dma_start3A_604, %dma_start3A_605] : memref<400x128xf32, #tpu.memory_space<vmem>> -> memref<40x128xf32, #tpu.memory_space<vmem>>
      %dma_start3A_607 = tpu.memref_slice %arg11[%add3A_603] : memref<10000xi32, #tpu.memory_space<vmem>> -> memref<40xi32, #tpu.memory_space<vmem>>
      %dma_start3A_608 = arith.constant 0 : i32
      %dma_start3A_609 = arith.constant 0 : i32
      %dma_start3A_610 = tpu.memref_slice %arg18[%dma_start3A_608, %dma_start3A_609] : memref<64x128xf32, #tpu.memory_space<vmem_shared>> -> memref<64x128xf32, #tpu.memory_space<vmem_shared>>
      tpu.enqueue_indirect_dma source(%dma_start3A_610 : memref<64x128xf32, #tpu.memory_space<vmem_shared>>) target(%dma_start3A_606 : memref<40x128xf32, #tpu.memory_space<vmem>>) offsets(%dma_start3A_607 : memref<40xi32, #tpu.memory_space<vmem>>) semaphore(%arg20 : memref<!tpu.dma_semaphore, #tpu.memory_space<semaphore_mem>>)
      %sub3A_611 = arith.subi %add3A_530, %mul3A_2 : i32
      %add3A_612 = arith.constant 80 : i32
      %add3A_613 = arith.addi %sub3A_611, %add3A_612 : i32
      %dma_start3A_614 = arith.constant 280 : i32
      %dma_start3A_615 = arith.constant 0 : i32
      %dma_start3A_616 = tpu.memref_slice %arg12[%dma_start3A_614, %dma_start3A_615] : memref<400x128xf32, #tpu.memory_space<vmem>> -> memref<40x128xf32, #tpu.memory_space<vmem>>
      %dma_start3A_617 = tpu.memref_slice %arg11[%add3A_613] : memref<10000xi32, #tpu.memory_space<vmem>> -> memref<40xi32, #tpu.memory_space<vmem>>
      %dma_start3A_618 = arith.constant 0 : i32
      %dma_start3A_619 = arith.constant 0 : i32
      %dma_start3A_620 = tpu.memref_slice %arg18[%dma_start3A_618, %dma_start3A_619] : memref<64x128xf32, #tpu.memory_space<vmem_shared>> -> memref<64x128xf32, #tpu.memory_space<vmem_shared>>
      tpu.enqueue_indirect_dma source(%dma_start3A_620 : memref<64x128xf32, #tpu.memory_space<vmem_shared>>) target(%dma_start3A_616 : memref<40x128xf32, #tpu.memory_space<vmem>>) offsets(%dma_start3A_617 : memref<40xi32, #tpu.memory_space<vmem>>) semaphore(%arg20 : memref<!tpu.dma_semaphore, #tpu.memory_space<semaphore_mem>>)
      %sub3A_621 = arith.subi %add3A_530, %mul3A_2 : i32
      %add3A_622 = arith.constant 120 : i32
      %add3A_623 = arith.addi %sub3A_621, %add3A_622 : i32
      %dma_start3A_624 = arith.constant 320 : i32
      %dma_start3A_625 = arith.constant 0 : i32
      %dma_start3A_626 = tpu.memref_slice %arg12[%dma_start3A_624, %dma_start3A_625] : memref<400x128xf32, #tpu.memory_space<vmem>> -> memref<40x128xf32, #tpu.memory_space<vmem>>
      %dma_start3A_627 = tpu.memref_slice %arg11[%add3A_623] : memref<10000xi32, #tpu.memory_space<vmem>> -> memref<40xi32, #tpu.memory_space<vmem>>
      %dma_start3A_628 = arith.constant 0 : i32
      %dma_start3A_629 = arith.constant 0 : i32
      %dma_start3A_630 = tpu.memref_slice %arg18[%dma_start3A_628, %dma_start3A_629] : memref<64x128xf32, #tpu.memory_space<vmem_shared>> -> memref<64x128xf32, #tpu.memory_space<vmem_shared>>
      tpu.enqueue_indirect_dma source(%dma_start3A_630 : memref<64x128xf32, #tpu.memory_space<vmem_shared>>) target(%dma_start3A_626 : memref<40x128xf32, #tpu.memory_space<vmem>>) offsets(%dma_start3A_627 : memref<40xi32, #tpu.memory_space<vmem>>) semaphore(%arg20 : memref<!tpu.dma_semaphore, #tpu.memory_space<semaphore_mem>>)
      %sub3A_631 = arith.subi %add3A_530, %mul3A_2 : i32
      %add3A_632 = arith.constant 160 : i32
      %add3A_633 = arith.addi %sub3A_631, %add3A_632 : i32
      %dma_start3A_634 = arith.constant 360 : i32
      %dma_start3A_635 = arith.constant 0 : i32
      %dma_start3A_636 = tpu.memref_slice %arg12[%dma_start3A_634, %dma_start3A_635] : memref<400x128xf32, #tpu.memory_space<vmem>> -> memref<40x128xf32, #tpu.memory_space<vmem>>
      %dma_start3A_637 = tpu.memref_slice %arg11[%add3A_633] : memref<10000xi32, #tpu.memory_space<vmem>> -> memref<40xi32, #tpu.memory_space<vmem>>
      %dma_start3A_638 = arith.constant 0 : i32
      %dma_start3A_639 = arith.constant 0 : i32
      %dma_start3A_640 = tpu.memref_slice %arg18[%dma_start3A_638, %dma_start3A_639] : memref<64x128xf32, #tpu.memory_space<vmem_shared>> -> memref<64x128xf32, #tpu.memory_space<vmem_shared>>
      tpu.enqueue_indirect_dma source(%dma_start3A_640 : memref<64x128xf32, #tpu.memory_space<vmem_shared>>) target(%dma_start3A_636 : memref<40x128xf32, #tpu.memory_space<vmem>>) offsets(%dma_start3A_637 : memref<40xi32, #tpu.memory_space<vmem>>) semaphore(%arg20 : memref<!tpu.dma_semaphore, #tpu.memory_space<semaphore_mem>>)
      %dma_start3A_641 = arith.constant 0 : i32
      %dma_start3A_642 = arith.constant 0 : i32
      %dma_start3A_643 = tpu.memref_slice %arg12[%dma_start3A_641, %dma_start3A_642] : memref<400x128xf32, #tpu.memory_space<vmem>> -> memref<200x128xf32, #tpu.memory_space<vmem>>
      %dma_start3A_644 = arith.constant 0 : i32
      %dma_start3A_645 = tpu.memref_slice %arg7[%add3A_528, %dma_start3A_644] : memref<320000x128xf32, #tpu.memory_space<hbm>> -> memref<200x128xf32, #tpu.memory_space<hbm>>
      %dma_start3A_646 = arith.constant 0 : i32
      %dma_start3A_647 = tpu.memref_slice %arg7[%add3A_528, %dma_start3A_646] : memref<320000x128xf32, #tpu.memory_space<hbm>> -> memref<200x128xf32, #tpu.memory_space<hbm>>
      %dma_start3A_648 = arith.constant 0 : i32
      %dma_start3A_649 = arith.constant 0 : i32
      %dma_start3A_650 = tpu.memref_slice %arg12[%dma_start3A_648, %dma_start3A_649] : memref<400x128xf32, #tpu.memory_space<vmem>> -> memref<200x128xf32, #tpu.memory_space<vmem>>
      tpu.enqueue_dma source(%dma_start3A_650 : memref<200x128xf32, #tpu.memory_space<vmem>>) target(%dma_start3A_647 : memref<200x128xf32, #tpu.memory_space<hbm>>) target_semaphore(%arg21 : memref<!tpu.dma_semaphore, #tpu.memory_space<semaphore_mem>>)
      %add3A_651 = arith.constant 1 : i32
      %add3A_652 = arith.addi %scan3A_525, %add3A_651 : i32
      %scan3A_653 = arith.constant 0 : i32
      %scan3A_654 = arith.constant 0 : i32
      %scan3A_655 = arith.constant 25 : i32
      %scan3A_656 = arith.addi %scan3A_654, %scan3A_655 : i32
      %scan3A_657 = arith.constant 1 : i32
      scf.for %scan3A_781 = %scan3A_654 to %scan3A_656 step %scan3A_657  : i32 {
        %mul3A_782 = arith.constant 400 : i32
        %mul3A_783 = arith.muli %add3A_652, %mul3A_782 : i32
        %mul3A_784 = arith.constant 16 : i32
        %mul3A_785 = arith.muli %scan3A_781, %mul3A_784 : i32
        %add3A_786 = arith.addi %mul3A_783, %mul3A_785 : i32
        %get3A = arith.index_cast %add3A_786 : i32 to index
        %get3A_787 = tpu.vector_load %arg8[%get3A] {strides = array<i32>} : memref<10000xi32, #tpu.memory_space<vmem>>, vector<16xi32>,
        %get3A_788 = vector.shape_cast %get3A_787 : vector<16xi32> to vector<16xi32>
        %get3A_789 = arith.index_cast %add3A_786 : i32 to index
        %get3A_790 = tpu.vector_load %arg9[%get3A_789] {strides = array<i32>} : memref<10000xi32, #tpu.memory_space<vmem>>, vector<16xi32>,
        %get3A_791 = vector.shape_cast %get3A_790 : vector<16xi32> to vector<16xi32>
        %get3A_792 = arith.index_cast %add3A_786 : i32 to index
        %get3A_793 = tpu.vector_load %arg10[%get3A_792] {strides = array<i32>} : memref<10000xi32, #tpu.memory_space<vmem>>, vector<16xi32>,
        %get3A_794 = vector.shape_cast %get3A_793 : vector<16xi32> to vector<16xi32>
        %add3A_795 = arith.addi %get3A_788, %get3A_791 : vector<16xi32>
        %add3A_796 = arith.addi %add3A_795, %get3A_794 : vector<16xi32>
        %jit3A = arith.constant 0 : i32
        %jit3A_797 = arith.constant 4 : i32
        %max3A = vector.broadcast %jit3A : i32 to vector<16xi32>
        %max3A_798 = arith.maxsi %max3A, %get3A_788 : vector<16xi32>
        %min3A = vector.broadcast %jit3A_797 : i32 to vector<16xi32>
        %min3A_799 = arith.minsi %min3A, %max3A_798 : vector<16xi32>
        %mul3A_800 = arith.constant 12 : i32
        %mul3A_801 = vector.broadcast %mul3A_800 : i32 to vector<16xi32>
        %mul3A_802 = arith.muli %min3A_799, %mul3A_801 : vector<16xi32>
        %jit3A_803 = arith.constant 0 : i32
        %jit3A_804 = arith.constant 5 : i32
        %max3A_805 = vector.broadcast %jit3A_803 : i32 to vector<16xi32>
        %max3A_806 = arith.maxsi %max3A_805, %get3A_791 : vector<16xi32>
        %min3A_807 = vector.broadcast %jit3A_804 : i32 to vector<16xi32>
        %min3A_808 = arith.minsi %min3A_807, %max3A_806 : vector<16xi32>
        %mul3A_809 = arith.constant 2 : i32
        %mul3A_810 = vector.broadcast %mul3A_809 : i32 to vector<16xi32>
        %mul3A_811 = arith.muli %min3A_808, %mul3A_810 : vector<16xi32>
        %add3A_812 = arith.addi %mul3A_802, %mul3A_811 : vector<16xi32>
        %jit3A_813 = arith.constant 0 : i32
        %jit3A_814 = arith.constant 1 : i32
        %max3A_815 = vector.broadcast %jit3A_813 : i32 to vector<16xi32>
        %max3A_816 = arith.maxsi %max3A_815, %get3A_794 : vector<16xi32>
        %min3A_817 = vector.broadcast %jit3A_814 : i32 to vector<16xi32>
        %min3A_818 = arith.minsi %min3A_817, %max3A_816 : vector<16xi32>
        %add3A_819 = arith.addi %add3A_812, %min3A_818 : vector<16xi32>
        %ge3A = arith.constant 0 : i32
        %ge3A_820 = vector.broadcast %ge3A : i32 to vector<16xi32>
        %ge3A_821 = arith.cmpi sge, %add3A_796, %ge3A_820 : vector<16xi32>
        %eq3A_822 = arith.constant -3 : i32
        %eq3A_823 = vector.broadcast %eq3A_822 : i32 to vector<16xi32>
        %eq3A_824 = arith.cmpi eq, %add3A_796, %eq3A_823 : vector<16xi32>
        %broadcast_in_dim3A = arith.constant 60 : i32
        %broadcast_in_dim3A_825 = vector.broadcast %broadcast_in_dim3A : i32 to vector<16xi32>
        %broadcast_in_dim3A_826 = arith.constant 61 : i32
        %broadcast_in_dim3A_827 = vector.broadcast %broadcast_in_dim3A_826 : i32 to vector<16xi32>
        %select_n3A = arith.select %eq3A_824, %broadcast_in_dim3A_825, %broadcast_in_dim3A_827 : vector<16xi1>, vector<16xi32>
        %select_n3A_828 = arith.select %ge3A_821, %add3A_819, %select_n3A : vector<16xi1>, vector<16xi32>
        %swap3A = arith.index_cast %add3A_786 : i32 to index
        %swap3A_829 = tpu.vector_load %arg11[%swap3A] {strides = array<i32>} : memref<10000xi32, #tpu.memory_space<vmem>>, vector<16xi32>,
        %swap3A_830 = vector.shape_cast %swap3A_829 : vector<16xi32> to vector<16xi32>
        %swap3A_831 = vector.shape_cast %select_n3A_828 : vector<16xi32> to vector<16xi32>
        tpu.vector_store %arg11[%swap3A], %swap3A_831 {strides = array<i32>} : memref<10000xi32, #tpu.memory_space<vmem>>, vector<16xi32>,
      }
      %scan3A_658 = arith.constant 25 : i32
      %dma_wait3A_659 = arith.constant 0 : i32
      %dma_wait3A_660 = arith.constant 0 : i32
      %dma_wait3A_661 = tpu.memref_slice %arg12[%dma_wait3A_659, %dma_wait3A_660] : memref<400x128xf32, #tpu.memory_space<vmem>> -> memref<200x128xf32, #tpu.memory_space<vmem>>
      %dma_wait3A_662 = arith.constant 0 : i32
      %dma_wait3A_663 = tpu.memref_slice %arg7[%add3A_528, %dma_wait3A_662] : memref<320000x128xf32, #tpu.memory_space<hbm>> -> memref<200x128xf32, #tpu.memory_space<hbm>>
      %dma_wait3A_664 = arith.constant 0 : i32
      %dma_wait3A_665 = tpu.memref_slice %arg7[%add3A_528, %dma_wait3A_664] : memref<320000x128xf32, #tpu.memory_space<hbm>> -> memref<200x128xf32, #tpu.memory_space<hbm>>
      %dma_wait3A_666 = arith.constant 0 : i32
      %dma_wait3A_667 = arith.constant 0 : i32
      %dma_wait3A_668 = tpu.memref_slice %arg12[%dma_wait3A_666, %dma_wait3A_667] : memref<400x128xf32, #tpu.memory_space<vmem>> -> memref<200x128xf32, #tpu.memory_space<vmem>>
      tpu.wait_dma2 semaphore(%arg21 : memref<!tpu.dma_semaphore, #tpu.memory_space<semaphore_mem>>) src(%dma_wait3A_668 : memref<200x128xf32, #tpu.memory_space<vmem>>) dst(%dma_wait3A_665 : memref<200x128xf32, #tpu.memory_space<hbm>>)
      %add3A_669 = arith.constant 400 : i32
      %add3A_670 = arith.addi %add3A_528, %add3A_669 : i32
      %sub3A_671 = arith.subi %add3A_670, %mul3A_2 : i32
      %add3A_672 = arith.constant 0 : i32
      %add3A_673 = arith.addi %sub3A_671, %add3A_672 : i32
      %dma_start3A_674 = arith.constant 0 : i32
      %dma_start3A_675 = arith.constant 0 : i32
      %dma_start3A_676 = tpu.memref_slice %arg12[%dma_start3A_674, %dma_start3A_675] : memref<400x128xf32, #tpu.memory_space<vmem>> -> memref<40x128xf32, #tpu.memory_space<vmem>>
      %dma_start3A_677 = tpu.memref_slice %arg11[%add3A_673] : memref<10000xi32, #tpu.memory_space<vmem>> -> memref<40xi32, #tpu.memory_space<vmem>>
      %dma_start3A_678 = arith.constant 0 : i32
      %dma_start3A_679 = arith.constant 0 : i32
      %dma_start3A_680 = tpu.memref_slice %arg18[%dma_start3A_678, %dma_start3A_679] : memref<64x128xf32, #tpu.memory_space<vmem_shared>> -> memref<64x128xf32, #tpu.memory_space<vmem_shared>>
      tpu.enqueue_indirect_dma source(%dma_start3A_680 : memref<64x128xf32, #tpu.memory_space<vmem_shared>>) target(%dma_start3A_676 : memref<40x128xf32, #tpu.memory_space<vmem>>) offsets(%dma_start3A_677 : memref<40xi32, #tpu.memory_space<vmem>>) semaphore(%arg19 : memref<!tpu.dma_semaphore, #tpu.memory_space<semaphore_mem>>)
      %sub3A_681 = arith.subi %add3A_670, %mul3A_2 : i32
      %add3A_682 = arith.constant 40 : i32
      %add3A_683 = arith.addi %sub3A_681, %add3A_682 : i32
      %dma_start3A_684 = arith.constant 40 : i32
      %dma_start3A_685 = arith.constant 0 : i32
      %dma_start3A_686 = tpu.memref_slice %arg12[%dma_start3A_684, %dma_start3A_685] : memref<400x128xf32, #tpu.memory_space<vmem>> -> memref<40x128xf32, #tpu.memory_space<vmem>>
      %dma_start3A_687 = tpu.memref_slice %arg11[%add3A_683] : memref<10000xi32, #tpu.memory_space<vmem>> -> memref<40xi32, #tpu.memory_space<vmem>>
      %dma_start3A_688 = arith.constant 0 : i32
      %dma_start3A_689 = arith.constant 0 : i32
      %dma_start3A_690 = tpu.memref_slice %arg18[%dma_start3A_688, %dma_start3A_689] : memref<64x128xf32, #tpu.memory_space<vmem_shared>> -> memref<64x128xf32, #tpu.memory_space<vmem_shared>>
      tpu.enqueue_indirect_dma source(%dma_start3A_690 : memref<64x128xf32, #tpu.memory_space<vmem_shared>>) target(%dma_start3A_686 : memref<40x128xf32, #tpu.memory_space<vmem>>) offsets(%dma_start3A_687 : memref<40xi32, #tpu.memory_space<vmem>>) semaphore(%arg19 : memref<!tpu.dma_semaphore, #tpu.memory_space<semaphore_mem>>)
      %sub3A_691 = arith.subi %add3A_670, %mul3A_2 : i32
      %add3A_692 = arith.constant 80 : i32
      %add3A_693 = arith.addi %sub3A_691, %add3A_692 : i32
      %dma_start3A_694 = arith.constant 80 : i32
      %dma_start3A_695 = arith.constant 0 : i32
      %dma_start3A_696 = tpu.memref_slice %arg12[%dma_start3A_694, %dma_start3A_695] : memref<400x128xf32, #tpu.memory_space<vmem>> -> memref<40x128xf32, #tpu.memory_space<vmem>>
      %dma_start3A_697 = tpu.memref_slice %arg11[%add3A_693] : memref<10000xi32, #tpu.memory_space<vmem>> -> memref<40xi32, #tpu.memory_space<vmem>>
      %dma_start3A_698 = arith.constant 0 : i32
      %dma_start3A_699 = arith.constant 0 : i32
      %dma_start3A_700 = tpu.memref_slice %arg18[%dma_start3A_698, %dma_start3A_699] : memref<64x128xf32, #tpu.memory_space<vmem_shared>> -> memref<64x128xf32, #tpu.memory_space<vmem_shared>>
      tpu.enqueue_indirect_dma source(%dma_start3A_700 : memref<64x128xf32, #tpu.memory_space<vmem_shared>>) target(%dma_start3A_696 : memref<40x128xf32, #tpu.memory_space<vmem>>) offsets(%dma_start3A_697 : memref<40xi32, #tpu.memory_space<vmem>>) semaphore(%arg19 : memref<!tpu.dma_semaphore, #tpu.memory_space<semaphore_mem>>)
      %sub3A_701 = arith.subi %add3A_670, %mul3A_2 : i32
      %add3A_702 = arith.constant 120 : i32
      %add3A_703 = arith.addi %sub3A_701, %add3A_702 : i32
      %dma_start3A_704 = arith.constant 120 : i32
      %dma_start3A_705 = arith.constant 0 : i32
      %dma_start3A_706 = tpu.memref_slice %arg12[%dma_start3A_704, %dma_start3A_705] : memref<400x128xf32, #tpu.memory_space<vmem>> -> memref<40x128xf32, #tpu.memory_space<vmem>>
      %dma_start3A_707 = tpu.memref_slice %arg11[%add3A_703] : memref<10000xi32, #tpu.memory_space<vmem>> -> memref<40xi32, #tpu.memory_space<vmem>>
      %dma_start3A_708 = arith.constant 0 : i32
      %dma_start3A_709 = arith.constant 0 : i32
      %dma_start3A_710 = tpu.memref_slice %arg18[%dma_start3A_708, %dma_start3A_709] : memref<64x128xf32, #tpu.memory_space<vmem_shared>> -> memref<64x128xf32, #tpu.memory_space<vmem_shared>>
      tpu.enqueue_indirect_dma source(%dma_start3A_710 : memref<64x128xf32, #tpu.memory_space<vmem_shared>>) target(%dma_start3A_706 : memref<40x128xf32, #tpu.memory_space<vmem>>) offsets(%dma_start3A_707 : memref<40xi32, #tpu.memory_space<vmem>>) semaphore(%arg19 : memref<!tpu.dma_semaphore, #tpu.memory_space<semaphore_mem>>)
      %sub3A_711 = arith.subi %add3A_670, %mul3A_2 : i32
      %add3A_712 = arith.constant 160 : i32
      %add3A_713 = arith.addi %sub3A_711, %add3A_712 : i32
      %dma_start3A_714 = arith.constant 160 : i32
      %dma_start3A_715 = arith.constant 0 : i32
      %dma_start3A_716 = tpu.memref_slice %arg12[%dma_start3A_714, %dma_start3A_715] : memref<400x128xf32, #tpu.memory_space<vmem>> -> memref<40x128xf32, #tpu.memory_space<vmem>>
      %dma_start3A_717 = tpu.memref_slice %arg11[%add3A_713] : memref<10000xi32, #tpu.memory_space<vmem>> -> memref<40xi32, #tpu.memory_space<vmem>>
      %dma_start3A_718 = arith.constant 0 : i32
      %dma_start3A_719 = arith.constant 0 : i32
      %dma_start3A_720 = tpu.memref_slice %arg18[%dma_start3A_718, %dma_start3A_719] : memref<64x128xf32, #tpu.memory_space<vmem_shared>> -> memref<64x128xf32, #tpu.memory_space<vmem_shared>>
      tpu.enqueue_indirect_dma source(%dma_start3A_720 : memref<64x128xf32, #tpu.memory_space<vmem_shared>>) target(%dma_start3A_716 : memref<40x128xf32, #tpu.memory_space<vmem>>) offsets(%dma_start3A_717 : memref<40xi32, #tpu.memory_space<vmem>>) semaphore(%arg19 : memref<!tpu.dma_semaphore, #tpu.memory_space<semaphore_mem>>)
      %sub3A_721 = arith.subi %add3A_530, %mul3A_2 : i32
      %add3A_722 = arith.constant 0 : i32
      %add3A_723 = arith.addi %sub3A_721, %add3A_722 : i32
      %dma_wait3A_724 = arith.constant 200 : i32
      %dma_wait3A_725 = arith.constant 0 : i32
      %dma_wait3A_726 = tpu.memref_slice %arg12[%dma_wait3A_724, %dma_wait3A_725] : memref<400x128xf32, #tpu.memory_space<vmem>> -> memref<40x128xf32, #tpu.memory_space<vmem>>
      %dma_wait3A_727 = tpu.memref_slice %arg11[%add3A_723] : memref<10000xi32, #tpu.memory_space<vmem>> -> memref<40xi32, #tpu.memory_space<vmem>>
      %dma_wait3A_728 = arith.constant 0 : i32
      %dma_wait3A_729 = arith.constant 0 : i32
      %dma_wait3A_730 = tpu.memref_slice %arg18[%dma_wait3A_728, %dma_wait3A_729] : memref<64x128xf32, #tpu.memory_space<vmem_shared>> -> memref<64x128xf32, #tpu.memory_space<vmem_shared>>
      tpu.wait_indirect_dma semaphore(%arg20 : memref<!tpu.dma_semaphore, #tpu.memory_space<semaphore_mem>>) src(%dma_wait3A_730 : memref<64x128xf32, #tpu.memory_space<vmem_shared>>) dst(%dma_wait3A_726 : memref<40x128xf32, #tpu.memory_space<vmem>>)
      %sub3A_731 = arith.subi %add3A_530, %mul3A_2 : i32
      %add3A_732 = arith.constant 40 : i32
      %add3A_733 = arith.addi %sub3A_731, %add3A_732 : i32
      %dma_wait3A_734 = arith.constant 240 : i32
      %dma_wait3A_735 = arith.constant 0 : i32
      %dma_wait3A_736 = tpu.memref_slice %arg12[%dma_wait3A_734, %dma_wait3A_735] : memref<400x128xf32, #tpu.memory_space<vmem>> -> memref<40x128xf32, #tpu.memory_space<vmem>>
      %dma_wait3A_737 = tpu.memref_slice %arg11[%add3A_733] : memref<10000xi32, #tpu.memory_space<vmem>> -> memref<40xi32, #tpu.memory_space<vmem>>
      %dma_wait3A_738 = arith.constant 0 : i32
      %dma_wait3A_739 = arith.constant 0 : i32
      %dma_wait3A_740 = tpu.memref_slice %arg18[%dma_wait3A_738, %dma_wait3A_739] : memref<64x128xf32, #tpu.memory_space<vmem_shared>> -> memref<64x128xf32, #tpu.memory_space<vmem_shared>>
      tpu.wait_indirect_dma semaphore(%arg20 : memref<!tpu.dma_semaphore, #tpu.memory_space<semaphore_mem>>) src(%dma_wait3A_740 : memref<64x128xf32, #tpu.memory_space<vmem_shared>>) dst(%dma_wait3A_736 : memref<40x128xf32, #tpu.memory_space<vmem>>)
      %sub3A_741 = arith.subi %add3A_530, %mul3A_2 : i32
      %add3A_742 = arith.constant 80 : i32
      %add3A_743 = arith.addi %sub3A_741, %add3A_742 : i32
      %dma_wait3A_744 = arith.constant 280 : i32
      %dma_wait3A_745 = arith.constant 0 : i32
      %dma_wait3A_746 = tpu.memref_slice %arg12[%dma_wait3A_744, %dma_wait3A_745] : memref<400x128xf32, #tpu.memory_space<vmem>> -> memref<40x128xf32, #tpu.memory_space<vmem>>
      %dma_wait3A_747 = tpu.memref_slice %arg11[%add3A_743] : memref<10000xi32, #tpu.memory_space<vmem>> -> memref<40xi32, #tpu.memory_space<vmem>>
      %dma_wait3A_748 = arith.constant 0 : i32
      %dma_wait3A_749 = arith.constant 0 : i32
      %dma_wait3A_750 = tpu.memref_slice %arg18[%dma_wait3A_748, %dma_wait3A_749] : memref<64x128xf32, #tpu.memory_space<vmem_shared>> -> memref<64x128xf32, #tpu.memory_space<vmem_shared>>
      tpu.wait_indirect_dma semaphore(%arg20 : memref<!tpu.dma_semaphore, #tpu.memory_space<semaphore_mem>>) src(%dma_wait3A_750 : memref<64x128xf32, #tpu.memory_space<vmem_shared>>) dst(%dma_wait3A_746 : memref<40x128xf32, #tpu.memory_space<vmem>>)
      %sub3A_751 = arith.subi %add3A_530, %mul3A_2 : i32
      %add3A_752 = arith.constant 120 : i32
      %add3A_753 = arith.addi %sub3A_751, %add3A_752 : i32
      %dma_wait3A_754 = arith.constant 320 : i32
      %dma_wait3A_755 = arith.constant 0 : i32
      %dma_wait3A_756 = tpu.memref_slice %arg12[%dma_wait3A_754, %dma_wait3A_755] : memref<400x128xf32, #tpu.memory_space<vmem>> -> memref<40x128xf32, #tpu.memory_space<vmem>>
      %dma_wait3A_757 = tpu.memref_slice %arg11[%add3A_753] : memref<10000xi32, #tpu.memory_space<vmem>> -> memref<40xi32, #tpu.memory_space<vmem>>
      %dma_wait3A_758 = arith.constant 0 : i32
      %dma_wait3A_759 = arith.constant 0 : i32
      %dma_wait3A_760 = tpu.memref_slice %arg18[%dma_wait3A_758, %dma_wait3A_759] : memref<64x128xf32, #tpu.memory_space<vmem_shared>> -> memref<64x128xf32, #tpu.memory_space<vmem_shared>>
      tpu.wait_indirect_dma semaphore(%arg20 : memref<!tpu.dma_semaphore, #tpu.memory_space<semaphore_mem>>) src(%dma_wait3A_760 : memref<64x128xf32, #tpu.memory_space<vmem_shared>>) dst(%dma_wait3A_756 : memref<40x128xf32, #tpu.memory_space<vmem>>)
      %sub3A_761 = arith.subi %add3A_530, %mul3A_2 : i32
      %add3A_762 = arith.constant 160 : i32
      %add3A_763 = arith.addi %sub3A_761, %add3A_762 : i32
      %dma_wait3A_764 = arith.constant 360 : i32
      %dma_wait3A_765 = arith.constant 0 : i32
      %dma_wait3A_766 = tpu.memref_slice %arg12[%dma_wait3A_764, %dma_wait3A_765] : memref<400x128xf32, #tpu.memory_space<vmem>> -> memref<40x128xf32, #tpu.memory_space<vmem>>
      %dma_wait3A_767 = tpu.memref_slice %arg11[%add3A_763] : memref<10000xi32, #tpu.memory_space<vmem>> -> memref<40xi32, #tpu.memory_space<vmem>>
      %dma_wait3A_768 = arith.constant 0 : i32
      %dma_wait3A_769 = arith.constant 0 : i32
      %dma_wait3A_770 = tpu.memref_slice %arg18[%dma_wait3A_768, %dma_wait3A_769] : memref<64x128xf32, #tpu.memory_space<vmem_shared>> -> memref<64x128xf32, #tpu.memory_space<vmem_shared>>
      tpu.wait_indirect_dma semaphore(%arg20 : memref<!tpu.dma_semaphore, #tpu.memory_space<semaphore_mem>>) src(%dma_wait3A_770 : memref<64x128xf32, #tpu.memory_space<vmem_shared>>) dst(%dma_wait3A_766 : memref<40x128xf32, #tpu.memory_space<vmem>>)
      %dma_start3A_771 = arith.constant 200 : i32
      %dma_start3A_772 = arith.constant 0 : i32
      %dma_start3A_773 = tpu.memref_slice %arg12[%dma_start3A_771, %dma_start3A_772] : memref<400x128xf32, #tpu.memory_space<vmem>> -> memref<200x128xf32, #tpu.memory_space<vmem>>
      %dma_start3A_774 = arith.constant 0 : i32
      %dma_start3A_775 = tpu.memref_slice %arg7[%add3A_530, %dma_start3A_774] : memref<320000x128xf32, #tpu.memory_space<hbm>> -> memref<200x128xf32, #tpu.memory_space<hbm>>
      %dma_start3A_776 = arith.constant 0 : i32
      %dma_start3A_777 = tpu.memref_slice %arg7[%add3A_530, %dma_start3A_776] : memref<320000x128xf32, #tpu.memory_space<hbm>> -> memref<200x128xf32, #tpu.memory_space<hbm>>
      %dma_start3A_778 = arith.constant 200 : i32
      %dma_start3A_779 = arith.constant 0 : i32
      %dma_start3A_780 = tpu.memref_slice %arg12[%dma_start3A_778, %dma_start3A_779] : memref<400x128xf32, #tpu.memory_space<vmem>> -> memref<200x128xf32, #tpu.memory_space<vmem>>
      tpu.enqueue_dma source(%dma_start3A_780 : memref<200x128xf32, #tpu.memory_space<vmem>>) target(%dma_start3A_777 : memref<200x128xf32, #tpu.memory_space<hbm>>) target_semaphore(%arg22 : memref<!tpu.dma_semaphore, #tpu.memory_space<semaphore_mem>>)
    }
    %scan3A_320 = arith.constant 23 : i32
    %add3A_321 = arith.constant 9600 : i32
    %add3A_322 = arith.addi %mul3A_2, %add3A_321 : i32
    %add3A_323 = arith.constant 200 : i32
    %add3A_324 = arith.addi %add3A_322, %add3A_323 : i32
    %sub3A_325 = arith.subi %add3A_322, %mul3A_2 : i32
    %add3A_326 = arith.constant 0 : i32
    %add3A_327 = arith.addi %sub3A_325, %add3A_326 : i32
    %dma_wait3A_328 = arith.constant 0 : i32
    %dma_wait3A_329 = arith.constant 0 : i32
    %dma_wait3A_330 = tpu.memref_slice %arg12[%dma_wait3A_328, %dma_wait3A_329] : memref<400x128xf32, #tpu.memory_space<vmem>> -> memref<40x128xf32, #tpu.memory_space<vmem>>
    %dma_wait3A_331 = tpu.memref_slice %arg11[%add3A_327] : memref<10000xi32, #tpu.memory_space<vmem>> -> memref<40xi32, #tpu.memory_space<vmem>>
    %dma_wait3A_332 = arith.constant 0 : i32
    %dma_wait3A_333 = arith.constant 0 : i32
    %dma_wait3A_334 = tpu.memref_slice %arg18[%dma_wait3A_332, %dma_wait3A_333] : memref<64x128xf32, #tpu.memory_space<vmem_shared>> -> memref<64x128xf32, #tpu.memory_space<vmem_shared>>
    tpu.wait_indirect_dma semaphore(%arg19 : memref<!tpu.dma_semaphore, #tpu.memory_space<semaphore_mem>>) src(%dma_wait3A_334 : memref<64x128xf32, #tpu.memory_space<vmem_shared>>) dst(%dma_wait3A_330 : memref<40x128xf32, #tpu.memory_space<vmem>>)
    %sub3A_335 = arith.subi %add3A_322, %mul3A_2 : i32
    %add3A_336 = arith.constant 40 : i32
    %add3A_337 = arith.addi %sub3A_335, %add3A_336 : i32
    %dma_wait3A_338 = arith.constant 40 : i32
    %dma_wait3A_339 = arith.constant 0 : i32
    %dma_wait3A_340 = tpu.memref_slice %arg12[%dma_wait3A_338, %dma_wait3A_339] : memref<400x128xf32, #tpu.memory_space<vmem>> -> memref<40x128xf32, #tpu.memory_space<vmem>>
    %dma_wait3A_341 = tpu.memref_slice %arg11[%add3A_337] : memref<10000xi32, #tpu.memory_space<vmem>> -> memref<40xi32, #tpu.memory_space<vmem>>
    %dma_wait3A_342 = arith.constant 0 : i32
    %dma_wait3A_343 = arith.constant 0 : i32
    %dma_wait3A_344 = tpu.memref_slice %arg18[%dma_wait3A_342, %dma_wait3A_343] : memref<64x128xf32, #tpu.memory_space<vmem_shared>> -> memref<64x128xf32, #tpu.memory_space<vmem_shared>>
    tpu.wait_indirect_dma semaphore(%arg19 : memref<!tpu.dma_semaphore, #tpu.memory_space<semaphore_mem>>) src(%dma_wait3A_344 : memref<64x128xf32, #tpu.memory_space<vmem_shared>>) dst(%dma_wait3A_340 : memref<40x128xf32, #tpu.memory_space<vmem>>)
    %sub3A_345 = arith.subi %add3A_322, %mul3A_2 : i32
    %add3A_346 = arith.constant 80 : i32
    %add3A_347 = arith.addi %sub3A_345, %add3A_346 : i32
    %dma_wait3A_348 = arith.constant 80 : i32
    %dma_wait3A_349 = arith.constant 0 : i32
    %dma_wait3A_350 = tpu.memref_slice %arg12[%dma_wait3A_348, %dma_wait3A_349] : memref<400x128xf32, #tpu.memory_space<vmem>> -> memref<40x128xf32, #tpu.memory_space<vmem>>
    %dma_wait3A_351 = tpu.memref_slice %arg11[%add3A_347] : memref<10000xi32, #tpu.memory_space<vmem>> -> memref<40xi32, #tpu.memory_space<vmem>>
    %dma_wait3A_352 = arith.constant 0 : i32
    %dma_wait3A_353 = arith.constant 0 : i32
    %dma_wait3A_354 = tpu.memref_slice %arg18[%dma_wait3A_352, %dma_wait3A_353] : memref<64x128xf32, #tpu.memory_space<vmem_shared>> -> memref<64x128xf32, #tpu.memory_space<vmem_shared>>
    tpu.wait_indirect_dma semaphore(%arg19 : memref<!tpu.dma_semaphore, #tpu.memory_space<semaphore_mem>>) src(%dma_wait3A_354 : memref<64x128xf32, #tpu.memory_space<vmem_shared>>) dst(%dma_wait3A_350 : memref<40x128xf32, #tpu.memory_space<vmem>>)
    %sub3A_355 = arith.subi %add3A_322, %mul3A_2 : i32
    %add3A_356 = arith.constant 120 : i32
    %add3A_357 = arith.addi %sub3A_355, %add3A_356 : i32
    %dma_wait3A_358 = arith.constant 120 : i32
    %dma_wait3A_359 = arith.constant 0 : i32
    %dma_wait3A_360 = tpu.memref_slice %arg12[%dma_wait3A_358, %dma_wait3A_359] : memref<400x128xf32, #tpu.memory_space<vmem>> -> memref<40x128xf32, #tpu.memory_space<vmem>>
    %dma_wait3A_361 = tpu.memref_slice %arg11[%add3A_357] : memref<10000xi32, #tpu.memory_space<vmem>> -> memref<40xi32, #tpu.memory_space<vmem>>
    %dma_wait3A_362 = arith.constant 0 : i32
    %dma_wait3A_363 = arith.constant 0 : i32
    %dma_wait3A_364 = tpu.memref_slice %arg18[%dma_wait3A_362, %dma_wait3A_363] : memref<64x128xf32, #tpu.memory_space<vmem_shared>> -> memref<64x128xf32, #tpu.memory_space<vmem_shared>>
    tpu.wait_indirect_dma semaphore(%arg19 : memref<!tpu.dma_semaphore, #tpu.memory_space<semaphore_mem>>) src(%dma_wait3A_364 : memref<64x128xf32, #tpu.memory_space<vmem_shared>>) dst(%dma_wait3A_360 : memref<40x128xf32, #tpu.memory_space<vmem>>)
    %sub3A_365 = arith.subi %add3A_322, %mul3A_2 : i32
    %add3A_366 = arith.constant 160 : i32
    %add3A_367 = arith.addi %sub3A_365, %add3A_366 : i32
    %dma_wait3A_368 = arith.constant 160 : i32
    %dma_wait3A_369 = arith.constant 0 : i32
    %dma_wait3A_370 = tpu.memref_slice %arg12[%dma_wait3A_368, %dma_wait3A_369] : memref<400x128xf32, #tpu.memory_space<vmem>> -> memref<40x128xf32, #tpu.memory_space<vmem>>
    %dma_wait3A_371 = tpu.memref_slice %arg11[%add3A_367] : memref<10000xi32, #tpu.memory_space<vmem>> -> memref<40xi32, #tpu.memory_space<vmem>>
    %dma_wait3A_372 = arith.constant 0 : i32
    %dma_wait3A_373 = arith.constant 0 : i32
    %dma_wait3A_374 = tpu.memref_slice %arg18[%dma_wait3A_372, %dma_wait3A_373] : memref<64x128xf32, #tpu.memory_space<vmem_shared>> -> memref<64x128xf32, #tpu.memory_space<vmem_shared>>
    tpu.wait_indirect_dma semaphore(%arg19 : memref<!tpu.dma_semaphore, #tpu.memory_space<semaphore_mem>>) src(%dma_wait3A_374 : memref<64x128xf32, #tpu.memory_space<vmem_shared>>) dst(%dma_wait3A_370 : memref<40x128xf32, #tpu.memory_space<vmem>>)
    %dma_wait3A_375 = arith.constant 200 : i32
    %dma_wait3A_376 = arith.constant 0 : i32
    %dma_wait3A_377 = tpu.memref_slice %arg12[%dma_wait3A_375, %dma_wait3A_376] : memref<400x128xf32, #tpu.memory_space<vmem>> -> memref<200x128xf32, #tpu.memory_space<vmem>>
    %dma_wait3A_378 = arith.constant 0 : i32
    %dma_wait3A_379 = tpu.memref_slice %arg7[%add3A_324, %dma_wait3A_378] : memref<320000x128xf32, #tpu.memory_space<hbm>> -> memref<200x128xf32, #tpu.memory_space<hbm>>
    %dma_wait3A_380 = arith.constant 0 : i32
    %dma_wait3A_381 = tpu.memref_slice %arg7[%add3A_324, %dma_wait3A_380] : memref<320000x128xf32, #tpu.memory_space<hbm>> -> memref<200x128xf32, #tpu.memory_space<hbm>>
    %dma_wait3A_382 = arith.constant 200 : i32
    %dma_wait3A_383 = arith.constant 0 : i32
    %dma_wait3A_384 = tpu.memref_slice %arg12[%dma_wait3A_382, %dma_wait3A_383] : memref<400x128xf32, #tpu.memory_space<vmem>> -> memref<200x128xf32, #tpu.memory_space<vmem>>
    tpu.wait_dma2 semaphore(%arg22 : memref<!tpu.dma_semaphore, #tpu.memory_space<semaphore_mem>>) src(%dma_wait3A_384 : memref<200x128xf32, #tpu.memory_space<vmem>>) dst(%dma_wait3A_381 : memref<200x128xf32, #tpu.memory_space<hbm>>)
    %sub3A_385 = arith.subi %add3A_324, %mul3A_2 : i32
    %add3A_386 = arith.constant 0 : i32
    %add3A_387 = arith.addi %sub3A_385, %add3A_386 : i32
    %dma_start3A_388 = arith.constant 200 : i32
    %dma_start3A_389 = arith.constant 0 : i32
    %dma_start3A_390 = tpu.memref_slice %arg12[%dma_start3A_388, %dma_start3A_389] : memref<400x128xf32, #tpu.memory_space<vmem>> -> memref<40x128xf32, #tpu.memory_space<vmem>>
    %dma_start3A_391 = tpu.memref_slice %arg11[%add3A_387] : memref<10000xi32, #tpu.memory_space<vmem>> -> memref<40xi32, #tpu.memory_space<vmem>>
    %dma_start3A_392 = arith.constant 0 : i32
    %dma_start3A_393 = arith.constant 0 : i32
    %dma_start3A_394 = tpu.memref_slice %arg18[%dma_start3A_392, %dma_start3A_393] : memref<64x128xf32, #tpu.memory_space<vmem_shared>> -> memref<64x128xf32, #tpu.memory_space<vmem_shared>>
    tpu.enqueue_indirect_dma source(%dma_start3A_394 : memref<64x128xf32, #tpu.memory_space<vmem_shared>>) target(%dma_start3A_390 : memref<40x128xf32, #tpu.memory_space<vmem>>) offsets(%dma_start3A_391 : memref<40xi32, #tpu.memory_space<vmem>>) semaphore(%arg20 : memref<!tpu.dma_semaphore, #tpu.memory_space<semaphore_mem>>)
    %sub3A_395 = arith.subi %add3A_324, %mul3A_2 : i32
    %add3A_396 = arith.constant 40 : i32
    %add3A_397 = arith.addi %sub3A_395, %add3A_396 : i32
    %dma_start3A_398 = arith.constant 240 : i32
    %dma_start3A_399 = arith.constant 0 : i32
    %dma_start3A_400 = tpu.memref_slice %arg12[%dma_start3A_398, %dma_start3A_399] : memref<400x128xf32, #tpu.memory_space<vmem>> -> memref<40x128xf32, #tpu.memory_space<vmem>>
    %dma_start3A_401 = tpu.memref_slice %arg11[%add3A_397] : memref<10000xi32, #tpu.memory_space<vmem>> -> memref<40xi32, #tpu.memory_space<vmem>>
    %dma_start3A_402 = arith.constant 0 : i32
    %dma_start3A_403 = arith.constant 0 : i32
    %dma_start3A_404 = tpu.memref_slice %arg18[%dma_start3A_402, %dma_start3A_403] : memref<64x128xf32, #tpu.memory_space<vmem_shared>> -> memref<64x128xf32, #tpu.memory_space<vmem_shared>>
    tpu.enqueue_indirect_dma source(%dma_start3A_404 : memref<64x128xf32, #tpu.memory_space<vmem_shared>>) target(%dma_start3A_400 : memref<40x128xf32, #tpu.memory_space<vmem>>) offsets(%dma_start3A_401 : memref<40xi32, #tpu.memory_space<vmem>>) semaphore(%arg20 : memref<!tpu.dma_semaphore, #tpu.memory_space<semaphore_mem>>)
    %sub3A_405 = arith.subi %add3A_324, %mul3A_2 : i32
    %add3A_406 = arith.constant 80 : i32
    %add3A_407 = arith.addi %sub3A_405, %add3A_406 : i32
    %dma_start3A_408 = arith.constant 280 : i32
    %dma_start3A_409 = arith.constant 0 : i32
    %dma_start3A_410 = tpu.memref_slice %arg12[%dma_start3A_408, %dma_start3A_409] : memref<400x128xf32, #tpu.memory_space<vmem>> -> memref<40x128xf32, #tpu.memory_space<vmem>>
    %dma_start3A_411 = tpu.memref_slice %arg11[%add3A_407] : memref<10000xi32, #tpu.memory_space<vmem>> -> memref<40xi32, #tpu.memory_space<vmem>>
    %dma_start3A_412 = arith.constant 0 : i32
    %dma_start3A_413 = arith.constant 0 : i32
    %dma_start3A_414 = tpu.memref_slice %arg18[%dma_start3A_412, %dma_start3A_413] : memref<64x128xf32, #tpu.memory_space<vmem_shared>> -> memref<64x128xf32, #tpu.memory_space<vmem_shared>>
    tpu.enqueue_indirect_dma source(%dma_start3A_414 : memref<64x128xf32, #tpu.memory_space<vmem_shared>>) target(%dma_start3A_410 : memref<40x128xf32, #tpu.memory_space<vmem>>) offsets(%dma_start3A_411 : memref<40xi32, #tpu.memory_space<vmem>>) semaphore(%arg20 : memref<!tpu.dma_semaphore, #tpu.memory_space<semaphore_mem>>)
    %sub3A_415 = arith.subi %add3A_324, %mul3A_2 : i32
    %add3A_416 = arith.constant 120 : i32
    %add3A_417 = arith.addi %sub3A_415, %add3A_416 : i32
    %dma_start3A_418 = arith.constant 320 : i32
    %dma_start3A_419 = arith.constant 0 : i32
    %dma_start3A_420 = tpu.memref_slice %arg12[%dma_start3A_418, %dma_start3A_419] : memref<400x128xf32, #tpu.memory_space<vmem>> -> memref<40x128xf32, #tpu.memory_space<vmem>>
    %dma_start3A_421 = tpu.memref_slice %arg11[%add3A_417] : memref<10000xi32, #tpu.memory_space<vmem>> -> memref<40xi32, #tpu.memory_space<vmem>>
    %dma_start3A_422 = arith.constant 0 : i32
    %dma_start3A_423 = arith.constant 0 : i32
    %dma_start3A_424 = tpu.memref_slice %arg18[%dma_start3A_422, %dma_start3A_423] : memref<64x128xf32, #tpu.memory_space<vmem_shared>> -> memref<64x128xf32, #tpu.memory_space<vmem_shared>>
    tpu.enqueue_indirect_dma source(%dma_start3A_424 : memref<64x128xf32, #tpu.memory_space<vmem_shared>>) target(%dma_start3A_420 : memref<40x128xf32, #tpu.memory_space<vmem>>) offsets(%dma_start3A_421 : memref<40xi32, #tpu.memory_space<vmem>>) semaphore(%arg20 : memref<!tpu.dma_semaphore, #tpu.memory_space<semaphore_mem>>)
    %sub3A_425 = arith.subi %add3A_324, %mul3A_2 : i32
    %add3A_426 = arith.constant 160 : i32
    %add3A_427 = arith.addi %sub3A_425, %add3A_426 : i32
    %dma_start3A_428 = arith.constant 360 : i32
    %dma_start3A_429 = arith.constant 0 : i32
    %dma_start3A_430 = tpu.memref_slice %arg12[%dma_start3A_428, %dma_start3A_429] : memref<400x128xf32, #tpu.memory_space<vmem>> -> memref<40x128xf32, #tpu.memory_space<vmem>>
    %dma_start3A_431 = tpu.memref_slice %arg11[%add3A_427] : memref<10000xi32, #tpu.memory_space<vmem>> -> memref<40xi32, #tpu.memory_space<vmem>>
    %dma_start3A_432 = arith.constant 0 : i32
    %dma_start3A_433 = arith.constant 0 : i32
    %dma_start3A_434 = tpu.memref_slice %arg18[%dma_start3A_432, %dma_start3A_433] : memref<64x128xf32, #tpu.memory_space<vmem_shared>> -> memref<64x128xf32, #tpu.memory_space<vmem_shared>>
    tpu.enqueue_indirect_dma source(%dma_start3A_434 : memref<64x128xf32, #tpu.memory_space<vmem_shared>>) target(%dma_start3A_430 : memref<40x128xf32, #tpu.memory_space<vmem>>) offsets(%dma_start3A_431 : memref<40xi32, #tpu.memory_space<vmem>>) semaphore(%arg20 : memref<!tpu.dma_semaphore, #tpu.memory_space<semaphore_mem>>)
    %dma_start3A_435 = arith.constant 0 : i32
    %dma_start3A_436 = arith.constant 0 : i32
    %dma_start3A_437 = tpu.memref_slice %arg12[%dma_start3A_435, %dma_start3A_436] : memref<400x128xf32, #tpu.memory_space<vmem>> -> memref<200x128xf32, #tpu.memory_space<vmem>>
    %dma_start3A_438 = arith.constant 0 : i32
    %dma_start3A_439 = tpu.memref_slice %arg7[%add3A_322, %dma_start3A_438] : memref<320000x128xf32, #tpu.memory_space<hbm>> -> memref<200x128xf32, #tpu.memory_space<hbm>>
    %dma_start3A_440 = arith.constant 0 : i32
    %dma_start3A_441 = tpu.memref_slice %arg7[%add3A_322, %dma_start3A_440] : memref<320000x128xf32, #tpu.memory_space<hbm>> -> memref<200x128xf32, #tpu.memory_space<hbm>>
    %dma_start3A_442 = arith.constant 0 : i32
    %dma_start3A_443 = arith.constant 0 : i32
    %dma_start3A_444 = tpu.memref_slice %arg12[%dma_start3A_442, %dma_start3A_443] : memref<400x128xf32, #tpu.memory_space<vmem>> -> memref<200x128xf32, #tpu.memory_space<vmem>>
    tpu.enqueue_dma source(%dma_start3A_444 : memref<200x128xf32, #tpu.memory_space<vmem>>) target(%dma_start3A_441 : memref<200x128xf32, #tpu.memory_space<hbm>>) target_semaphore(%arg21 : memref<!tpu.dma_semaphore, #tpu.memory_space<semaphore_mem>>)
    %dma_wait3A_445 = arith.constant 0 : i32
    %dma_wait3A_446 = arith.constant 0 : i32
    %dma_wait3A_447 = tpu.memref_slice %arg12[%dma_wait3A_445, %dma_wait3A_446] : memref<400x128xf32, #tpu.memory_space<vmem>> -> memref<200x128xf32, #tpu.memory_space<vmem>>
    %dma_wait3A_448 = arith.constant 0 : i32
    %dma_wait3A_449 = tpu.memref_slice %arg7[%add3A_322, %dma_wait3A_448] : memref<320000x128xf32, #tpu.memory_space<hbm>> -> memref<200x128xf32, #tpu.memory_space<hbm>>
    %dma_wait3A_450 = arith.constant 0 : i32
    %dma_wait3A_451 = tpu.memref_slice %arg7[%add3A_322, %dma_wait3A_450] : memref<320000x128xf32, #tpu.memory_space<hbm>> -> memref<200x128xf32, #tpu.memory_space<hbm>>
    %dma_wait3A_452 = arith.constant 0 : i32
    %dma_wait3A_453 = arith.constant 0 : i32
    %dma_wait3A_454 = tpu.memref_slice %arg12[%dma_wait3A_452, %dma_wait3A_453] : memref<400x128xf32, #tpu.memory_space<vmem>> -> memref<200x128xf32, #tpu.memory_space<vmem>>
    tpu.wait_dma2 semaphore(%arg21 : memref<!tpu.dma_semaphore, #tpu.memory_space<semaphore_mem>>) src(%dma_wait3A_454 : memref<200x128xf32, #tpu.memory_space<vmem>>) dst(%dma_wait3A_451 : memref<200x128xf32, #tpu.memory_space<hbm>>)
    %sub3A_455 = arith.subi %add3A_324, %mul3A_2 : i32
    %add3A_456 = arith.constant 0 : i32
    %add3A_457 = arith.addi %sub3A_455, %add3A_456 : i32
    %dma_wait3A_458 = arith.constant 200 : i32
    %dma_wait3A_459 = arith.constant 0 : i32
    %dma_wait3A_460 = tpu.memref_slice %arg12[%dma_wait3A_458, %dma_wait3A_459] : memref<400x128xf32, #tpu.memory_space<vmem>> -> memref<40x128xf32, #tpu.memory_space<vmem>>
    %dma_wait3A_461 = tpu.memref_slice %arg11[%add3A_457] : memref<10000xi32, #tpu.memory_space<vmem>> -> memref<40xi32, #tpu.memory_space<vmem>>
    %dma_wait3A_462 = arith.constant 0 : i32
    %dma_wait3A_463 = arith.constant 0 : i32
    %dma_wait3A_464 = tpu.memref_slice %arg18[%dma_wait3A_462, %dma_wait3A_463] : memref<64x128xf32, #tpu.memory_space<vmem_shared>> -> memref<64x128xf32, #tpu.memory_space<vmem_shared>>
    tpu.wait_indirect_dma semaphore(%arg20 : memref<!tpu.dma_semaphore, #tpu.memory_space<semaphore_mem>>) src(%dma_wait3A_464 : memref<64x128xf32, #tpu.memory_space<vmem_shared>>) dst(%dma_wait3A_460 : memref<40x128xf32, #tpu.memory_space<vmem>>)
    %sub3A_465 = arith.subi %add3A_324, %mul3A_2 : i32
    %add3A_466 = arith.constant 40 : i32
    %add3A_467 = arith.addi %sub3A_465, %add3A_466 : i32
    %dma_wait3A_468 = arith.constant 240 : i32
    %dma_wait3A_469 = arith.constant 0 : i32
    %dma_wait3A_470 = tpu.memref_slice %arg12[%dma_wait3A_468, %dma_wait3A_469] : memref<400x128xf32, #tpu.memory_space<vmem>> -> memref<40x128xf32, #tpu.memory_space<vmem>>
    %dma_wait3A_471 = tpu.memref_slice %arg11[%add3A_467] : memref<10000xi32, #tpu.memory_space<vmem>> -> memref<40xi32, #tpu.memory_space<vmem>>
    %dma_wait3A_472 = arith.constant 0 : i32
    %dma_wait3A_473 = arith.constant 0 : i32
    %dma_wait3A_474 = tpu.memref_slice %arg18[%dma_wait3A_472, %dma_wait3A_473] : memref<64x128xf32, #tpu.memory_space<vmem_shared>> -> memref<64x128xf32, #tpu.memory_space<vmem_shared>>
    tpu.wait_indirect_dma semaphore(%arg20 : memref<!tpu.dma_semaphore, #tpu.memory_space<semaphore_mem>>) src(%dma_wait3A_474 : memref<64x128xf32, #tpu.memory_space<vmem_shared>>) dst(%dma_wait3A_470 : memref<40x128xf32, #tpu.memory_space<vmem>>)
    %sub3A_475 = arith.subi %add3A_324, %mul3A_2 : i32
    %add3A_476 = arith.constant 80 : i32
    %add3A_477 = arith.addi %sub3A_475, %add3A_476 : i32
    %dma_wait3A_478 = arith.constant 280 : i32
    %dma_wait3A_479 = arith.constant 0 : i32
    %dma_wait3A_480 = tpu.memref_slice %arg12[%dma_wait3A_478, %dma_wait3A_479] : memref<400x128xf32, #tpu.memory_space<vmem>> -> memref<40x128xf32, #tpu.memory_space<vmem>>
    %dma_wait3A_481 = tpu.memref_slice %arg11[%add3A_477] : memref<10000xi32, #tpu.memory_space<vmem>> -> memref<40xi32, #tpu.memory_space<vmem>>
    %dma_wait3A_482 = arith.constant 0 : i32
    %dma_wait3A_483 = arith.constant 0 : i32
    %dma_wait3A_484 = tpu.memref_slice %arg18[%dma_wait3A_482, %dma_wait3A_483] : memref<64x128xf32, #tpu.memory_space<vmem_shared>> -> memref<64x128xf32, #tpu.memory_space<vmem_shared>>
    tpu.wait_indirect_dma semaphore(%arg20 : memref<!tpu.dma_semaphore, #tpu.memory_space<semaphore_mem>>) src(%dma_wait3A_484 : memref<64x128xf32, #tpu.memory_space<vmem_shared>>) dst(%dma_wait3A_480 : memref<40x128xf32, #tpu.memory_space<vmem>>)
    %sub3A_485 = arith.subi %add3A_324, %mul3A_2 : i32
    %add3A_486 = arith.constant 120 : i32
    %add3A_487 = arith.addi %sub3A_485, %add3A_486 : i32
    %dma_wait3A_488 = arith.constant 320 : i32
    %dma_wait3A_489 = arith.constant 0 : i32
    %dma_wait3A_490 = tpu.memref_slice %arg12[%dma_wait3A_488, %dma_wait3A_489] : memref<400x128xf32, #tpu.memory_space<vmem>> -> memref<40x128xf32, #tpu.memory_space<vmem>>
    %dma_wait3A_491 = tpu.memref_slice %arg11[%add3A_487] : memref<10000xi32, #tpu.memory_space<vmem>> -> memref<40xi32, #tpu.memory_space<vmem>>
    %dma_wait3A_492 = arith.constant 0 : i32
    %dma_wait3A_493 = arith.constant 0 : i32
    %dma_wait3A_494 = tpu.memref_slice %arg18[%dma_wait3A_492, %dma_wait3A_493] : memref<64x128xf32, #tpu.memory_space<vmem_shared>> -> memref<64x128xf32, #tpu.memory_space<vmem_shared>>
    tpu.wait_indirect_dma semaphore(%arg20 : memref<!tpu.dma_semaphore, #tpu.memory_space<semaphore_mem>>) src(%dma_wait3A_494 : memref<64x128xf32, #tpu.memory_space<vmem_shared>>) dst(%dma_wait3A_490 : memref<40x128xf32, #tpu.memory_space<vmem>>)
    %sub3A_495 = arith.subi %add3A_324, %mul3A_2 : i32
    %add3A_496 = arith.constant 160 : i32
    %add3A_497 = arith.addi %sub3A_495, %add3A_496 : i32
    %dma_wait3A_498 = arith.constant 360 : i32
    %dma_wait3A_499 = arith.constant 0 : i32
    %dma_wait3A_500 = tpu.memref_slice %arg12[%dma_wait3A_498, %dma_wait3A_499] : memref<400x128xf32, #tpu.memory_space<vmem>> -> memref<40x128xf32, #tpu.memory_space<vmem>>
    %dma_wait3A_501 = tpu.memref_slice %arg11[%add3A_497] : memref<10000xi32, #tpu.memory_space<vmem>> -> memref<40xi32, #tpu.memory_space<vmem>>
    %dma_wait3A_502 = arith.constant 0 : i32
    %dma_wait3A_503 = arith.constant 0 : i32
    %dma_wait3A_504 = tpu.memref_slice %arg18[%dma_wait3A_502, %dma_wait3A_503] : memref<64x128xf32, #tpu.memory_space<vmem_shared>> -> memref<64x128xf32, #tpu.memory_space<vmem_shared>>
    tpu.wait_indirect_dma semaphore(%arg20 : memref<!tpu.dma_semaphore, #tpu.memory_space<semaphore_mem>>) src(%dma_wait3A_504 : memref<64x128xf32, #tpu.memory_space<vmem_shared>>) dst(%dma_wait3A_500 : memref<40x128xf32, #tpu.memory_space<vmem>>)
    %dma_start3A_505 = arith.constant 200 : i32
    %dma_start3A_506 = arith.constant 0 : i32
    %dma_start3A_507 = tpu.memref_slice %arg12[%dma_start3A_505, %dma_start3A_506] : memref<400x128xf32, #tpu.memory_space<vmem>> -> memref<200x128xf32, #tpu.memory_space<vmem>>
    %dma_start3A_508 = arith.constant 0 : i32
    %dma_start3A_509 = tpu.memref_slice %arg7[%add3A_324, %dma_start3A_508] : memref<320000x128xf32, #tpu.memory_space<hbm>> -> memref<200x128xf32, #tpu.memory_space<hbm>>
    %dma_start3A_510 = arith.constant 0 : i32
    %dma_start3A_511 = tpu.memref_slice %arg7[%add3A_324, %dma_start3A_510] : memref<320000x128xf32, #tpu.memory_space<hbm>> -> memref<200x128xf32, #tpu.memory_space<hbm>>
    %dma_start3A_512 = arith.constant 200 : i32
    %dma_start3A_513 = arith.constant 0 : i32
    %dma_start3A_514 = tpu.memref_slice %arg12[%dma_start3A_512, %dma_start3A_513] : memref<400x128xf32, #tpu.memory_space<vmem>> -> memref<200x128xf32, #tpu.memory_space<vmem>>
    tpu.enqueue_dma source(%dma_start3A_514 : memref<200x128xf32, #tpu.memory_space<vmem>>) target(%dma_start3A_511 : memref<200x128xf32, #tpu.memory_space<hbm>>) target_semaphore(%arg22 : memref<!tpu.dma_semaphore, #tpu.memory_space<semaphore_mem>>)
    %dma_wait3A_515 = arith.constant 200 : i32
    %dma_wait3A_516 = arith.constant 0 : i32
    %dma_wait3A_517 = tpu.memref_slice %arg12[%dma_wait3A_515, %dma_wait3A_516] : memref<400x128xf32, #tpu.memory_space<vmem>> -> memref<200x128xf32, #tpu.memory_space<vmem>>
    %dma_wait3A_518 = arith.constant 0 : i32
    %dma_wait3A_519 = tpu.memref_slice %arg7[%add3A_324, %dma_wait3A_518] : memref<320000x128xf32, #tpu.memory_space<hbm>> -> memref<200x128xf32, #tpu.memory_space<hbm>>
    %dma_wait3A_520 = arith.constant 0 : i32
    %dma_wait3A_521 = tpu.memref_slice %arg7[%add3A_324, %dma_wait3A_520] : memref<320000x128xf32, #tpu.memory_space<hbm>> -> memref<200x128xf32, #tpu.memory_space<hbm>>
    %dma_wait3A_522 = arith.constant 200 : i32
    %dma_wait3A_523 = arith.constant 0 : i32
    %dma_wait3A_524 = tpu.memref_slice %arg12[%dma_wait3A_522, %dma_wait3A_523] : memref<400x128xf32, #tpu.memory_space<vmem>> -> memref<200x128xf32, #tpu.memory_space<vmem>>
    tpu.wait_dma2 semaphore(%arg22 : memref<!tpu.dma_semaphore, #tpu.memory_space<semaphore_mem>>) src(%dma_wait3A_524 : memref<200x128xf32, #tpu.memory_space<vmem>>) dst(%dma_wait3A_521 : memref<200x128xf32, #tpu.memory_space<hbm>>)
    return
  }
}

</mosaic_0001>

<sc_bundles>
// kernel: kernel.3.cloned.1.call-start
scs
__scs_entry_jumppad:
0x0: {  	(pc) =	sbr.rel $0x88, $3  }
0x1: {  	(tag) =	ssettag $0x0;
	lr =	simm.s32 $0x1  }
0x2: {  	[smem:$0x3F9C] =	sst lr;
	_ =	strace $0xD0000000  }
0x3: {  	_ = 	snop  }
0x4: {  	_ = 	snop  }
0x5: {  	_ = 	snop  }
0x6: {  	_ = 	snop  }
0x7: {  	_ = 	snop  }
__scs_overlays_trampoline_lowered:
0x8: {  	[smem:$0x3FAB] =	sst s0  }
0x9: {  	[smem:$0x3FAC] =	sst s1  }
0xa: {  	[smem:$0x3FAD] =	sst s2  }
0xb: {  	[smem:$0x3FAE] =	sst s3  }
0xc: {  	[smem:$0x3FAF] =	sst s4  }
0xd: {  	[smem:$0x3FB0] =	sst s5  }
0xe: {  	[smem:$0x3FB1] =	sst s6  }
0xf: {  	[smem:$0x3FB2] =	sst s7  }
0x10: {  	[smem:$0x3FB3] =	sst s8  }
0x11: {  	[smem:$0x3FB4] =	sst s9;
	s0 =	simm.s32 @!p0 $0x0  }
0x12: {  	s1 =	sld [smem:$0x3F9A];
	s0 =	simm.s32 @p0 $0x1  }
0x13: {  	[smem:$0x3FB5] =	sst s0;
	s0 =	simm.s32 @!p1 $0x0  }
0x14: {  	s2 =	sld [smem:$0x3F99];
	s0 =	simm.s32 @p1 $0x1  }
0x15: {  	[smem:$0x3FB6] =	sst s0;
	s0 =	simm.s32 @!p2 $0x0  }
0x16: {  	s3 =	sld [smem:$0x3FDB];
	s0 =	simm.s32 @p2 $0x1  }
0x17: {  	s4 =	simm.s32 $0x1BF5;
	[smem:$0x3FB8] =	sst s0  }
0x18: {  	s0 =	sld [smem:$0x3F9B];
	_ =	swait.ge [sflag:s4], $0x0  }
0x19: {  	s7 =	sld [smem:$0x3F9C]  }
0x1a: {  	s8 =	sadd.s32 $0xFFFFE003, lr  }
0x1b: {  	s9 =	sadd.s32 $0xFFFFFEF7, lr;
	s5 =	simm.s32 $0xFFFFFFFF;
	p2 =	slt.u32 s8, $0xFFFFF086  }
0x1c: {  	p1 =	slt.u32 s9, $0xF7A;
	s5 =	simm.s32 @!p2 $0x0  }
0x1d: {  	s5 =	simm.s32 @p1 $0x1;
	p0 =	seq.s32 s7, s2  }
0x1e: {  	s7 =	smul.u32 @!p0 $0xF7A, s2;
	p2 =	seq.s32 @!p0 s5, $0x0  }
0x1f: {  	s9 =	smul.u32 $0xF7A, s1;
	s8 =	simm.s32 @!p0 $0x1BF5;
	p2 =	por !p2, p0  }
0x20: {  	[sflag:s8] =	ssyncset.s32 @!p0 $0xFFFFF086;
	s6 =	sadd.s32 @!p0 s3, s7;
	s7 =	simm.s32 @!p0 $0x108  }
0x21: {  	s3 =	sadd.s32 s3, s9;
	s6 =	sadd.s32 @!p0 $0x88, s6;
	s7 =	simm.s32 @p2 $0x1082  }
0x22: {  	[simem:s7], [sflag:s8] =	dma.local @!p0 [hbm:s6], $0xF7A  }
0x23: {  	s9 =	sor.u32 $0xD0000000, s2;
	s6 =	simm.s32 $0x108;
	_ =	swait.ge @!p0 [sflag:s8], $0x0  }
0x24: {  	s3 =	sadd.s32 $0x88, s3;
	s6 =	simm.s32 @!p1 $0x1082;
	[sflag:s4] =	ssyncset.s32 $0xFFFFF086  }
0x25: {  	[simem:s6], [sflag:s4] =	dma.local [hbm:s3], $0xF7A  }
0x26: {  	[smem:$0x3F9C] =	sst s1;
	(tag) =	ssettag s2;
	_ =	strace s9  }
0x27: {  	s1 =	sld [smem:$0x3FAC]  }
0x28: {  	s2 =	sld [smem:$0x3FAD]  }
0x29: {  	s4 =	sld [smem:$0x3FAF]  }
0x2a: {  	p0 =	seq.s32 s5, $0x0;
	s5 =	sld [smem:$0x3FB0]  }
0x2b: {  	s6 =	sld [smem:$0x3FB1]  }
0x2c: {  	s7 =	sld [smem:$0x3FB2]  }
0x2d: {  	s3 =	simm.s32 $0x108;
	s8 =	sld [smem:$0x3FB3]  }
0x2e: {  	s3 =	simm.s32 @!p0 $0x1082;
	s9 =	sld [smem:$0x3FB4]  }
0x2f: {  	lr =	sadd.s32 s0, s3;
	s0 =	sld [smem:$0x3FAB]  }
0x30: {  	s3 =	sld [smem:$0x3FAE]  }
0x31: {  	[smem:$0x3FB7] =	sst s10  }
0x32: {  	s10 =	sld [smem:$0x3FB5];
	_ =	sdelay $0x3  }
0x33: {  	p0 =	seq.s32 s10, $0x1;
	s10 =	sld [smem:$0x3FB7];
	_ =	sdelay $0x3  }
0x34: {  	[smem:$0x3FB7] =	sst s10  }
0x35: {  	s10 =	sld [smem:$0x3FB6];
	_ =	sdelay $0x3  }
0x36: {  	p1 =	seq.s32 s10, $0x1;
	s10 =	sld [smem:$0x3FB7];
	_ =	sdelay $0x3  }
0x37: {  	[smem:$0x3FB7] =	sst s10  }
0x38: {  	s10 =	sld [smem:$0x3FB8]  }
0x39: {  	_ = 	snop;
	(pc) =	sbr.ind lr, $3  }
0x3a: {  	_ = 	snop  }
0x3b: {  	_ = 	snop  }
0x3c: {  	p2 =	seq.s32 s10, $0x1;
	s10 =	sld [smem:$0x3FB7]  }
0x3d: {  	_ =	shalt  }
0x3e: {  	_ =	shalt  }
0x3f: {  	_ =	shalt  }
0x40: {  	_ =	shalt  }
0x41: {  	_ =	shalt  }
0x42: {  	_ =	shalt  }
0x43: {  	_ =	shalt  }
0x44: {  	_ =	shalt  }
0x45: {  	_ =	shalt  }
0x46: {  	_ =	shalt  }
0x47: {  	_ =	shalt  }
0x48: {  	_ =	shalt  }
0x49: {  	_ =	shalt  }
0x4a: {  	_ =	shalt  }
0x4b: {  	_ =	shalt  }
0x4c: {  	_ =	shalt  }
0x4d: {  	_ =	shalt  }
0x4e: {  	_ =	shalt  }
0x4f: {  	_ =	shalt  }
0x50: {  	_ =	shalt  }
0x51: {  	_ =	shalt  }
0x52: {  	_ =	shalt  }
0x53: {  	_ =	shalt  }
0x54: {  	_ =	shalt  }
0x55: {  	_ =	shalt  }
0x56: {  	_ =	shalt  }
0x57: {  	_ =	shalt  }
0x58: {  	_ =	shalt  }
0x59: {  	_ =	shalt  }
0x5a: {  	_ =	shalt  }
0x5b: {  	_ =	shalt  }
0x5c: {  	_ =	shalt  }
0x5d: {  	_ =	shalt  }
0x5e: {  	_ =	shalt  }
0x5f: {  	_ =	shalt  }
0x60: {  	_ =	shalt  }
0x61: {  	_ =	shalt  }
0x62: {  	_ =	shalt  }
0x63: {  	_ =	shalt  }
0x64: {  	_ =	shalt  }
0x65: {  	_ =	shalt  }
0x66: {  	_ =	shalt  }
0x67: {  	_ =	shalt  }
0x68: {  	_ =	shalt  }
0x69: {  	_ =	shalt  }
0x6a: {  	_ =	shalt  }
0x6b: {  	_ =	shalt  }
0x6c: {  	_ =	shalt  }
0x6d: {  	_ =	shalt  }
0x6e: {  	_ =	shalt  }
0x6f: {  	_ =	shalt  }
0x70: {  	_ =	shalt  }
0x71: {  	_ =	shalt  }
0x72: {  	_ =	shalt  }
0x73: {  	_ =	shalt  }
0x74: {  	_ =	shalt  }
0x75: {  	_ =	shalt  }
0x76: {  	_ =	shalt  }
0x77: {  	_ =	shalt  }
0x78: {  	_ =	shalt  }
0x79: {  	_ =	shalt  }
0x7a: {  	_ =	shalt  }
0x7b: {  	_ =	shalt  }
0x7c: {  	_ =	shalt  }
0x7d: {  	_ =	shalt  }
0x7e: {  	_ =	shalt  }
0x7f: {  	_ =	shalt  }
0x80: {  	_ =	shalt  }
0x81: {  	_ =	shalt  }
0x82: {  	_ =	shalt  }
0x83: {  	_ =	shalt  }
0x84: {  	_ =	shalt  }
0x85: {  	_ =	shalt  }
0x86: {  	_ =	shalt  }
0x87: {  	_ =	shalt  }
.Lfunc_end0:
.L_simem_size_0:
called_computation_lowered:
.L_overlay_start_0:
0x88: {  	s2 =	sld [smem:$0x3FD9]  }
0x89: {  	s3 =	sld [smem:$0x3FFE];
	_ =	sdelay $0x1  }
0x8a: {  	s1 =	srdreg.scid  }
0x8b: {  	s0 =	sand.u32 $0x1, s1  }
0x8c: {  	s17 =	sshll.u32 s0, $0xA;
	s2 =	sadd.s32 s3, s2  }
0x8d: {  	s2 =	sadd.s32 s2, s17  }
0x8e: {  	[smem:$0x3FC3] =	sst s2  }
0x8f: {  	_ = 	snop  }
0x90: {  	s2 =	sld [smem:$0x3FC8]  }
0x91: {  	s18 =	sld [smem:$0x3FC7]  }
0x92: {  	s4 =	sld [smem:$0x3FC6]  }
0x93: {  	s5 =	sld [smem:$0x3FC5]  }
0x94: {  	s6 =	sld [smem:$0x3FD0];
	(tm) =	ssettm $0x1  }
0x95: {  	s7 =	sld [smem:$0x3FFB];
	_ =	sdelay $0x3  }
0x96: {  	_ =	strace s7  }
0x97: {  	s7 =	sld [smem:$0x3FFC];
	_ =	sdelay $0x3  }
0x98: {  	_ =	strace s7  }
0x99: {  	s7 =	sld [smem:$0x3FFD];
	_ =	sdelay $0x3  }
0x9a: {  	_ =	strace s7  }
0x9b: {  	_ =	strace $0x8FFFFFFF  }
0x9c: {  	s19 =	sld [smem:$0x3FDB];
	_ =	sdelay $0x1  }
0x9d: {  	s8 =	simm.s32 $_scs_section_size  }
0x9e: {  	s9 =	simm.s32 $_size__tile_overlayer_lowered;
	s10 =	simm.s32 $_tile_overlayer_lowered  }
0x9f: {  	s22 =	simm.s32 $0x1BFF;
	s21 =	sshll.u32 s10, $0x1;
	s7 =	sadd.s32 s8, s19  }
0xa0: {  	s11 =	simm.s32 $0x0;
	s20 =	sshll.u32 s9, $0x1;
	s9 =	sadd.s32 s21, s7  }
0xa1: {  	[timem:s11], [sflag:s22] =	dma.local [hbm:s9], s20  }
0xa2: {  	_ =	swait.ge [sflag:s22], s20  }
0xa3: {  	s8 =	ssub.s32 $0x0, s20;
	[sflag:s22] =	ssyncset.done $0x0  }
0xa4: {  	[sflag:s22] =	ssyncadd.s32 s8;
	_ =	sdelay $0x1  }
0xa5: {  	s23 =	simm.s32 $0x1B8B  }
0xa6: {  	_ =	swait.ge [sflag:s23], $0x1  }
0xa7: {  	[sflag:s23] =	ssyncset.done $0x0  }
0xa8: {  	s25 =	simm.s32 $0x1B8E;
	s24 =	sld [smem:$0x3FFE];
	[sflag:s23] =	ssyncadd.s32 $0xFFFFFFFF  }
0xa9: {  	s26 =	simm.s32 $execute0_lowered;
	[smem:$0x3FD2] =	sst s25  }
0xaa: {  	s9 =	sshll.u32 s26, $0x1;
	_ =	strace $0x80000046;
	[dreg:$0x1] =	wrdreg $0xFFFFFFFF  }
0xab: {  	s28 =	simm.s32 $_size_execute0_lowered;
	s7 =	sadd.s32 s7, s9;
	[dreg:$0x0] =	wrdreg $0x0  }
0xac: {  	s9 =	sshll.u32 s28, $0x1;
	[dreg:$0x2] =	wrdreg s7  }
0xad: {  	[dreg:$0x3] =	wrdreg s9  }
0xae: {  	[dreg:$0x4] =	wrdreg $0xC0  }
0xaf: {  	_ =	task [dreg:s11], $0x5FFFF  }
0xb0: {  	[dreg:$0x1] =	wrdreg $0xFFFFFFFF  }
0xb1: {  	[dreg:$0x0] =	wrdreg $0x60  }
0xb2: {  	[dreg:$0x2] =	wrdreg s24  }
0xb3: {  	[dreg:$0x3] =	wrdreg s2  }
0xb4: {  	[dreg:$0x4] =	wrdreg s18  }
0xb5: {  	[dreg:$0x5] =	wrdreg s4  }
0xb6: {  	[dreg:$0x6] =	wrdreg s5  }
0xb7: {  	[dreg:$0x7] =	wrdreg s6  }
0xb8: {  	[dreg:$0x8] =	wrdreg $0x18F800  }
0xb9: {  	[dreg:$0x9] =	wrdreg $0x9  }
0xba: {  	_ =	task.clear_ibuf [dreg:s11], $0xAFFFF;
	_ =	strace $0x90000046  }
0xbb: {  	s29 =	simm.s32 $0x9;
	_ =	strace $0x80000048  }
0xbc: {  	_ =	swait.ge [sflag:s29], $0x1  }
0xbd: {  	[sflag:s29] =	ssyncadd.s32 $0xFFFFFFFF  }
0xbe: {  	_ =	strace $0x90000048  }
0xbf: {  	_ =	sfence  }
0xc0: {  	s30 =	sld [smem:$0x0];
	_ =	sdelay $0x2  }
0xc1: {  	s31 =	sshll.u32 s1, $0xD;
	s1 =	sshrl.u32 s1, $0x2  }
0xc2: {  	s3 =	sand.u32 $0x4000, s31;
	s1 =	sadd.s32 s1, s30  }
0xc3: {  	s0 =	sor.u32 s3, s0;
	s1 =	sshll.u32 s1, $0x11  }
0xc4: {  	s0 =	sor.u32 s1, s0  }
0xc5: {  	s0 =	sadd.s32 $0x8F2B, s0  }
0xc6: {  	[sflag:s0] =	ssyncadd.remote.s32 $0x1  }
0xc7: {  	_ =	sfence.sel $0xFFFF  }
0xc8: {  	[dreg:$0x0] =	wrdreg $0xFFFFFFFF;
	(pc) =	sbr.abs _section_cstart, $3  }
0xc9: {  	[dreg:$0x1] =	wrdreg $0xFFFFFFFF  }
0xca: {  	_ =	task.clear_ibuf [dreg:s11], $0x2FFFF;
	_ =	strace $0x9FFFFFFF  }
0xcb: {  	(tm) =	ssettm $0x7FFFFFFF  }
tec
execute0_lowered:
.L_overlay_start_1:
0x0: {  	(tag) =	ssettag $0x1  }
0x1: {  	s0 =	rddreg [dreg:$0x0]  }
0x2: {  	s1 =	srdreg.scid;
	s5 =	rddreg [dreg:$0x5]  }
0x3: {  	s2 =	stileid.u32;
	s6 =	rddreg [dreg:$0x6];
	s7 =	simm.s32 $0x0  }
0x4: {  	s29 =	simm.s32 $0x9E00;
	s31 =	simm.s32 $0xB200;
	s19 =	simm.s32 $0xEE00  }
0x5: {  	s17 =	simm.s32 $0x11600;
	s1 =	sand.u32 $0x1, s1;
	s3 =	sshll.u32 s2, $0x1  }
0x6: {  	s28 =	simm.s32 $0x12A00;
	[smem:$0x7FF] =	sst s7;
	s3 =	sor.u32 s1, s3  }
0x7: {  	p0 =	sne.s32 s2, $0x0;
	s1 =	ssub.s32 $0x2, s1;
	s8 =	smul.u32 $0x2710, s3  }
0x8: {  	s2 =	simm.s32 $0xDA00;
	s9 =	smul.u32 $0x138800, s3;
	s20 =	sshrl.u32 s1, $0x1  }
0x9: {  	_ =	strace $0x80000047;
	s3 =	smul.u32 $0x27100, s3;
	s1 =	ssub.s32 s1, s20  }
0xa: {  	s20 =	simm.s32 $0x5;
	s4 =	sshrl.u32 s8, $0x3;
	s21 =	sshrl.u32 s9, $0x3  }
0xb: {  	s24 =	sadd.s32 s5, s3;
	s16 =	smax.u32 s1, $0x1;
	s0 =	sadd.s32 s4, s0  }
0xc: {  	s3 =	simm.s32 $0x15200;
	[dreg:$0xb] =	wrdreg s24;
	s22 =	sadd.s32 $0x400, s0  }
0xd: {  	s1 =	simm.s32 $0x0;
	s23 =	sadd.s32 $0xA040, s0;
	[dreg:$0x8] =	wrdreg s22  }
0xe: {  	s4 =	sadd.s32 s5, s21;
	s0 =	sadd.s32 $0x13C80, s0;
	[dreg:$0x9] =	wrdreg s23  }
0xf: {  	s21 =	simm.s32 $0x1;
	s25 =	sadd.s32 $0xC80, s4;
	[dreg:$0xa] =	wrdreg s0  }
0x10: {  	s24 =	simm.s32 $0x4;
	s26 =	sadd.s32 $0x25800, s4;
	[dreg:$0xc] =	wrdreg s25  }
0x11: {  	s30 =	sadd.s32 $0x26480, s4;
	s4 =	simm.s32 $0x13E00;
	[dreg:$0xd] =	wrdreg s26  }
0x12: {  	[dreg:$0xe] =	wrdreg s30;
	s25 =	simm.s32 $0x3;
	s26 =	simm.s32 $0x28  }
0x13: {  	v0 =	vimm.f32 $0.0e+00;
	v1 =	vimm.s32 $0x0;
	v2 =	vimm.s32 $0x3D;
	s0 =	simm.s32 $0xC600;
	s23 =	simm.s32 $0x10200;
	s22 =	simm.s32 $0x2  }
.LBB2_1:
0x14: {  	s9 =	rddreg [dreg:$0x8]  }
0x15: {  	[tilespmem:s7], [sflag:$0x3] =	stream.linear.gather [hbm4b:s9+s7], $0x2710, $0x38;
	[tilespmem:$0x19180] =	vst v63  }
.Ltmp0:
0x16: {  	_ = 	snop;
	(pc) =	sbr.rel @p0 .LBB2_5-.Ltmp0, $4  }
0x17: {  	s15 =	rddreg [dreg:$0x9];
	s10 =	simm.s32 $0x2780  }
0x18: {  	[tilespmem:s10], [sflag:$0x3] =	stream.linear.gather [hbm4b:s15+s7], $0x2710, $0x38;
	[tilespmem:$0x19180] =	vst v63  }
0x19: {  	s18 =	rddreg [dreg:$0xa];
	s30 =	simm.s32 $0x4F00  }
0x1a: {  	[tilespmem:s30], [sflag:$0x3] =	stream.linear.gather [hbm4b:s18+s7], $0x2710, $0x38;
	[tilespmem:$0x19180] =	vst v63  }
0x1b: {  	s18 =	simm.s32 $0x0;
	s9 =	rddreg [dreg:$0x1];
	s10 =	simm.s32 $0x18600  }
0x1c: {  	[tilespmem:s10], [sflag:$0x5] =	stream.linear.gather [hbm4b:s9+s18], $0x280, $0x38;
	[tilespmem:$0x19180] =	vst v63  }
0x1d: {  	_ =	swait.ge [sflag:s20], $0x280  }
0x1e: {  	[sflag:s20] =	ssyncset.done $0x0  }
0x1f: {  	[sflag:s20] =	ssyncadd.s32 $0xFFFFFD80  }
0x20: {  	s15 =	simm.s32 $0x18A00;
	s14 =	rddreg [dreg:$0x2]  }
0x21: {  	[tilespmem:s15], [sflag:$0x5] =	stream.linear.gather [hbm4b:s14+s18], $0x300, $0x38;
	[tilespmem:$0x19180] =	vst v63  }
0x22: {  	_ =	swait.ge [sflag:s20], $0x300  }
0x23: {  	[sflag:s20] =	ssyncset.done $0x0  }
0x24: {  	s11 =	simm.s32 $0x0;
	[sflag:s20] =	ssyncadd.s32 $0xFFFFFD00  }
0x25: {  	s9 =	smul.u32 $0xAB, s11;
	s11 =	simm.s32 $0x18E00;
	s12 =	rddreg [dreg:$0x3]  }
0x26: {  	[tilespmem:s11], [sflag:$0x5] =	stream.linear.gather [hbm4b:s12+s18], $0x100, $0x38;
	[tilespmem:$0x19180] =	vst v63  }
0x27: {  	_ =	swait.ge [sflag:s20], $0x100  }
0x28: {  	s9 =	sshrl.u32 s9, $0xA;
	[sflag:s20] =	ssyncset.done $0x0  }
0x29: {  	s9 =	sand.u32 $0x3F, s9;
	[sflag:s20] =	ssyncadd.s32 $0xFFFFFF00  }
0x2a: {  	s9 =	smul.u32 $0x6, s9;
	s14 =	simm.s32 $0x18F00;
	s13 =	rddreg [dreg:$0x4]  }
0x2b: {  	[tilespmem:s14], [sflag:$0x5] =	stream.linear.gather [hbm4b:s13+s18], $0x80, $0x38;
	[tilespmem:$0x19180] =	vst v63  }
0x2c: {  	s15 =	smul.u32 $0xAB, s18;
	s9 =	ssub.s32 $0x0, s9;
	_ =	swait.ge [sflag:s20], $0x80  }
0x2d: {  	s9 =	sand.u32 $0xFF, s9;
	[sflag:s20] =	ssyncset.done $0x0  }
0x2e: {  	s10 =	sshrl.u32 s15, $0x4;
	s12 =	sshll.u32 s9, $0x7;
	[sflag:s20] =	ssyncadd.s32 $0xFFFFFF80  }
0x2f: {  	s13 =	sand.u32 $0xF80, s10;
	v3 =	vld [tilespmem:s12+$0x18A00]  }
0x30: {  	v4 =	vld [tilespmem:s13+$0x18600]  }
0x31: {  	s10 =	sand.u32 $0x80, s18  }
0x32: {  	v5 =	vld [tilespmem:s10+$0x18E00];
	_ =	sdelay $0x2  }
0x33: {  	v3 =	vadd.f32 v3, v4;
	_ =	sdelay $0x1  }
0x34: {  	v3 =	vadd.f32 v5, v3  }
0x35: {  	s9 =	simm.s32 $0x16640  }
0x36: {  	[tilespmem:s9+$0xFFFFFFC0] =	vst v3  }
0x37: {  	v3 =	vld [tilespmem:s13+$0x18610]  }
0x38: {  	v4 =	vld [tilespmem:s12+$0x18A10];
	_ =	sdelay $0x1  }
0x39: {  	v5 =	vld [tilespmem:s10+$0x18E10];
	_ =	sdelay $0x2  }
0x3a: {  	v3 =	vadd.f32 v4, v3;
	_ =	sdelay $0x1  }
0x3b: {  	v3 =	vadd.f32 v5, v3;
	_ =	sdelay $0x1  }
0x3c: {  	[tilespmem:s9+$0xFFFFFFD0] =	vst v3  }
0x3d: {  	v3 =	vld [tilespmem:s13+$0x18620]  }
0x3e: {  	v4 =	vld [tilespmem:s12+$0x18A20];
	_ =	sdelay $0x1  }
0x3f: {  	v5 =	vld [tilespmem:s10+$0x18E20];
	_ =	sdelay $0x2  }
0x40: {  	v3 =	vadd.f32 v4, v3;
	_ =	sdelay $0x1  }
0x41: {  	v3 =	vadd.f32 v5, v3;
	_ =	sdelay $0x1  }
0x42: {  	[tilespmem:s9+$0xFFFFFFE0] =	vst v3  }
0x43: {  	v3 =	vld [tilespmem:s13+$0x18630]  }
0x44: {  	v4 =	vld [tilespmem:s12+$0x18A30];
	_ =	sdelay $0x1  }
0x45: {  	v5 =	vld [tilespmem:s10+$0x18E30];
	_ =	sdelay $0x2  }
0x46: {  	v3 =	vadd.f32 v4, v3;
	_ =	sdelay $0x1  }
0x47: {  	v3 =	vadd.f32 v5, v3;
	_ =	sdelay $0x1  }
0x48: {  	[tilespmem:s9+$0xFFFFFFF0] =	vst v3  }
0x49: {  	v3 =	vld [tilespmem:s13+$0x18640]  }
0x4a: {  	v4 =	vld [tilespmem:s12+$0x18A40];
	_ =	sdelay $0x1  }
0x4b: {  	v5 =	vld [tilespmem:s10+$0x18E40];
	_ =	sdelay $0x2  }
0x4c: {  	v3 =	vadd.f32 v4, v3;
	_ =	sdelay $0x1  }
0x4d: {  	v3 =	vadd.f32 v5, v3;
	_ =	sdelay $0x1  }
0x4e: {  	[tilespmem:s9+$0x0] =	vst v3  }
0x4f: {  	v3 =	vld [tilespmem:s13+$0x18650]  }
0x50: {  	v4 =	vld [tilespmem:s12+$0x18A50];
	_ =	sdelay $0x1  }
0x51: {  	v5 =	vld [tilespmem:s10+$0x18E50];
	_ =	sdelay $0x2  }
0x52: {  	v3 =	vadd.f32 v4, v3;
	_ =	sdelay $0x1  }
0x53: {  	v3 =	vadd.f32 v5, v3;
	_ =	sdelay $0x1  }
0x54: {  	[tilespmem:s9+$0x10] =	vst v3  }
0x55: {  	v3 =	vld [tilespmem:s13+$0x18660]  }
0x56: {  	v4 =	vld [tilespmem:s12+$0x18A60];
	_ =	sdelay $0x1  }
0x57: {  	v5 =	vld [tilespmem:s10+$0x18E60];
	_ =	sdelay $0x2  }
0x58: {  	v3 =	vadd.f32 v4, v3;
	_ =	sdelay $0x1  }
0x59: {  	v3 =	vadd.f32 v5, v3;
	_ =	sdelay $0x1  }
0x5a: {  	[tilespmem:s9+$0x20] =	vst v3  }
0x5b: {  	s30 =	simm.s32 $0x166C0;
	v3 =	vld [tilespmem:s13+$0x18670]  }
0x5c: {  	s11 =	simm.s32 $0x1;
	s14 =	simm.s32 $0x0;
	s13 =	simm.s32 $0x2;
	v4 =	vld [tilespmem:s12+$0x18A70]  }
.LBB2_3:
0x5d: {  	s15 =	smul.u32 $0xAB, s14  }
0x5e: {  	v5 =	vld [tilespmem:s10+$0x18E70];
	s18 =	sadd.s32 $0x80, s18;
	s10 =	smov.u32 s13;
	s12 =	sadd.s32 $0x1, s13  }
0x5f: {  	p1 =	sne.s32 s13, $0x3B  }
0x60: {  	s13 =	sshrl.u32 s15, $0xA  }
0x61: {  	s13 =	sand.u32 $0x3F, s13  }
0x62: {  	s13 =	smul.u32 $0x6, s13;
	v3 =	vadd.f32 v4, v3;
	_ =	sdelay $0x1  }
0x63: {  	s15 =	smul.u32 $0xAB, s11;
	s11 =	smov.u32 s10;
	s13 =	ssub.s32 s14, s13;
	v3 =	vadd.f32 v5, v3  }
0x64: {  	s10 =	sand.u32 $0xFF, s13  }
0x65: {  	s14 =	sshrl.u32 s15, $0x4;
	s13 =	sshll.u32 s10, $0x7;
	[tilespmem:s9+$0x30] =	vst v3;
	s9 =	smov.u32 s30  }
0x66: {  	s14 =	sand.u32 $0xF80, s14;
	v3 =	vld [tilespmem:s13+$0x18A00]  }
0x67: {  	s10 =	sand.u32 $0x80, s18;
	v4 =	vld [tilespmem:s14+$0x18600]  }
0x68: {  	v5 =	vld [tilespmem:s10+$0x18E00];
	_ =	sdelay $0x3  }
0x69: {  	v3 =	vadd.f32 v3, v4;
	_ =	sdelay $0x1  }
0x6a: {  	v3 =	vadd.f32 v5, v3;
	_ =	sdelay $0x1  }
0x6b: {  	[tilespmem:s30+$0xFFFFFFC0] =	vst v3  }
0x6c: {  	v3 =	vld [tilespmem:s14+$0x18610]  }
0x6d: {  	v4 =	vld [tilespmem:s13+$0x18A10];
	_ =	sdelay $0x1  }
0x6e: {  	v5 =	vld [tilespmem:s10+$0x18E10];
	_ =	sdelay $0x2  }
0x6f: {  	v3 =	vadd.f32 v4, v3;
	_ =	sdelay $0x1  }
0x70: {  	v3 =	vadd.f32 v5, v3;
	_ =	sdelay $0x1  }
0x71: {  	[tilespmem:s30+$0xFFFFFFD0] =	vst v3  }
0x72: {  	v3 =	vld [tilespmem:s14+$0x18620]  }
0x73: {  	v4 =	vld [tilespmem:s13+$0x18A20];
	_ =	sdelay $0x1  }
0x74: {  	v5 =	vld [tilespmem:s10+$0x18E20];
	_ =	sdelay $0x2  }
0x75: {  	v3 =	vadd.f32 v4, v3;
	_ =	sdelay $0x1  }
0x76: {  	v3 =	vadd.f32 v5, v3;
	_ =	sdelay $0x1  }
0x77: {  	[tilespmem:s30+$0xFFFFFFE0] =	vst v3  }
0x78: {  	v3 =	vld [tilespmem:s14+$0x18630]  }
0x79: {  	v4 =	vld [tilespmem:s13+$0x18A30]  }
0x7a: {  	v5 =	vld [tilespmem:s10+$0x18E30];
	_ =	sdelay $0x3  }
0x7b: {  	v3 =	vadd.f32 v4, v3;
	_ =	sdelay $0x1  }
0x7c: {  	v3 =	vadd.f32 v5, v3;
	_ =	sdelay $0x1  }
0x7d: {  	[tilespmem:s30+$0xFFFFFFF0] =	vst v3  }
0x7e: {  	v3 =	vld [tilespmem:s14+$0x18640]  }
0x7f: {  	v4 =	vld [tilespmem:s13+$0x18A40];
	_ =	sdelay $0x1  }
0x80: {  	v5 =	vld [tilespmem:s10+$0x18E40];
	_ =	sdelay $0x2  }
0x81: {  	v3 =	vadd.f32 v4, v3;
	_ =	sdelay $0x1  }
0x82: {  	v3 =	vadd.f32 v5, v3;
	_ =	sdelay $0x1  }
0x83: {  	[tilespmem:s30+$0x0] =	vst v3  }
0x84: {  	v3 =	vld [tilespmem:s14+$0x18650]  }
0x85: {  	v4 =	vld [tilespmem:s13+$0x18A50]  }
0x86: {  	v5 =	vld [tilespmem:s10+$0x18E50];
	_ =	sdelay $0x3  }
0x87: {  	v3 =	vadd.f32 v4, v3;
	_ =	sdelay $0x1  }
0x88: {  	v3 =	vadd.f32 v5, v3;
	_ =	sdelay $0x1  }
0x89: {  	[tilespmem:s30+$0x10] =	vst v3  }
0x8a: {  	v3 =	vld [tilespmem:s14+$0x18660]  }
0x8b: {  	v4 =	vld [tilespmem:s13+$0x18A60]  }
0x8c: {  	v5 =	vld [tilespmem:s10+$0x18E60];
	_ =	sdelay $0x3  }
0x8d: {  	v3 =	vadd.f32 v4, v3;
	_ =	sdelay $0x1  }
.Ltmp1:
0x8e: {  	v3 =	vadd.f32 v5, v3;
	(pc) =	sbr.rel @p1 .LBB2_3-.Ltmp1, $4  }
0x8f: {  	_ = 	snop  }
0x90: {  	[tilespmem:s30+$0x20] =	vst v3  }
0x91: {  	v3 =	vld [tilespmem:s14+$0x18670]  }
0x92: {  	s30 =	sadd.s32 $0x80, s30;
	s14 =	sshrl.u32 s11, $0x1;
	v4 =	vld [tilespmem:s13+$0x18A70];
	s13 =	smov.u32 s12  }
0x93: {  	s12 =	smul.u32 $0xAB, s14  }
0x94: {  	v5 =	vld [tilespmem:s10+$0x18E70]  }
0x95: {  	s13 =	sshrl.u32 s12, $0xA  }
0x96: {  	s10 =	sand.u32 $0x3F, s13  }
0x97: {  	s10 =	smul.u32 $0x6, s10;
	v3 =	vadd.f32 v4, v3;
	_ =	sdelay $0x1  }
0x98: {  	s11 =	smul.u32 $0xAB, s11;
	s10 =	ssub.s32 s14, s10;
	v3 =	vadd.f32 v5, v3  }
0x99: {  	s10 =	sand.u32 $0xFF, s10  }
0x9a: {  	s11 =	sshrl.u32 s11, $0x4;
	s10 =	sshll.u32 s10, $0x7;
	[tilespmem:s9+$0x30] =	vst v3  }
0x9b: {  	s15 =	sand.u32 $0xF80, s11;
	v3 =	vld [tilespmem:s10+$0x18A00]  }
0x9c: {  	s18 =	sadd.s32 $0x80, s18;
	v44 =	vld [tilespmem:s15+$0x18600]  }
0x9d: {  	s11 =	sand.u32 $0x80, s18  }
0x9e: {  	v45 =	vld [tilespmem:s11+$0x18E00];
	_ =	sdelay $0x2  }
0x9f: {  	v3 =	vadd.f32 v3, v44;
	_ =	sdelay $0x1  }
0xa0: {  	v3 =	vadd.f32 v45, v3;
	_ =	sdelay $0x1  }
0xa1: {  	[tilespmem:s30+$0xFFFFFFC0] =	vst v3  }
0xa2: {  	v3 =	vld [tilespmem:s15+$0x18610]  }
0xa3: {  	v46 =	vld [tilespmem:s10+$0x18A10];
	_ =	sdelay $0x1  }
0xa4: {  	v47 =	vld [tilespmem:s11+$0x18E10];
	_ =	sdelay $0x2  }
0xa5: {  	v3 =	vadd.f32 v46, v3;
	_ =	sdelay $0x1  }
0xa6: {  	v3 =	vadd.f32 v47, v3;
	_ =	sdelay $0x1  }
0xa7: {  	[tilespmem:s30+$0xFFFFFFD0] =	vst v3  }
0xa8: {  	v3 =	vld [tilespmem:s15+$0x18620]  }
0xa9: {  	v48 =	vld [tilespmem:s10+$0x18A20];
	_ =	sdelay $0x1  }
0xaa: {  	v49 =	vld [tilespmem:s11+$0x18E20];
	_ =	sdelay $0x2  }
0xab: {  	v3 =	vadd.f32 v48, v3;
	_ =	sdelay $0x1  }
0xac: {  	v3 =	vadd.f32 v49, v3;
	_ =	sdelay $0x1  }
0xad: {  	[tilespmem:s30+$0xFFFFFFE0] =	vst v3  }
0xae: {  	v3 =	vld [tilespmem:s15+$0x18630]  }
0xaf: {  	v50 =	vld [tilespmem:s10+$0x18A30];
	_ =	sdelay $0x1  }
0xb0: {  	v51 =	vld [tilespmem:s11+$0x18E30];
	_ =	sdelay $0x2  }
0xb1: {  	v3 =	vadd.f32 v50, v3;
	_ =	sdelay $0x1  }
0xb2: {  	v3 =	vadd.f32 v51, v3;
	_ =	sdelay $0x1  }
0xb3: {  	[tilespmem:s30+$0xFFFFFFF0] =	vst v3  }
0xb4: {  	v3 =	vld [tilespmem:s15+$0x18640]  }
0xb5: {  	v52 =	vld [tilespmem:s10+$0x18A40];
	_ =	sdelay $0x1  }
0xb6: {  	v53 =	vld [tilespmem:s11+$0x18E40];
	_ =	sdelay $0x2  }
0xb7: {  	v3 =	vadd.f32 v52, v3;
	_ =	sdelay $0x1  }
0xb8: {  	v3 =	vadd.f32 v53, v3;
	_ =	sdelay $0x1  }
0xb9: {  	[tilespmem:s30+$0x0] =	vst v3  }
0xba: {  	v3 =	vld [tilespmem:s15+$0x18650]  }
0xbb: {  	v54 =	vld [tilespmem:s10+$0x18A50];
	_ =	sdelay $0x1  }
0xbc: {  	v55 =	vld [tilespmem:s11+$0x18E50];
	_ =	sdelay $0x2  }
0xbd: {  	v3 =	vadd.f32 v54, v3;
	_ =	sdelay $0x1  }
0xbe: {  	v3 =	vadd.f32 v55, v3;
	_ =	sdelay $0x1  }
0xbf: {  	[tilespmem:s30+$0x10] =	vst v3  }
0xc0: {  	v3 =	vld [tilespmem:s15+$0x18660]  }
0xc1: {  	v56 =	vld [tilespmem:s10+$0x18A60];
	_ =	sdelay $0x1  }
0xc2: {  	v57 =	vld [tilespmem:s11+$0x18E60];
	_ =	sdelay $0x2  }
0xc3: {  	v3 =	vadd.f32 v56, v3;
	_ =	sdelay $0x1  }
0xc4: {  	v3 =	vadd.f32 v57, v3;
	_ =	sdelay $0x1  }
0xc5: {  	[tilespmem:s30+$0x20] =	vst v3  }
0xc6: {  	v3 =	vld [tilespmem:s15+$0x18670]  }
0xc7: {  	v58 =	vld [tilespmem:s10+$0x18A70];
	_ =	sdelay $0x1  }
0xc8: {  	v59 =	vld [tilespmem:s11+$0x18E70];
	_ =	sdelay $0x2  }
0xc9: {  	v3 =	vadd.f32 v58, v3;
	_ =	sdelay $0x1  }
0xca: {  	v3 =	vadd.f32 v59, v3;
	_ =	sdelay $0x1  }
0xcb: {  	[tilespmem:s30+$0x30] =	vst v3  }
0xcc: {  	[tilespmem:$0x18480] =	vst v0  }
0xcd: {  	[tilespmem:$0x18500] =	vst v0  }
0xce: {  	[tilespmem:$0x18580] =	vst v0  }
0xcf: {  	[tilespmem:$0x18490] =	vst v0  }
0xd0: {  	[tilespmem:$0x18510] =	vst v0  }
0xd1: {  	[tilespmem:$0x18590] =	vst v0  }
0xd2: {  	[tilespmem:$0x184A0] =	vst v0  }
0xd3: {  	[tilespmem:$0x18520] =	vst v0  }
0xd4: {  	[tilespmem:$0x185A0] =	vst v0  }
0xd5: {  	[tilespmem:$0x184B0] =	vst v0  }
0xd6: {  	[tilespmem:$0x18530] =	vst v0  }
0xd7: {  	v3 =	vld [tilespmem:$0x18F00];
	[tilespmem:$0x185B0] =	vst v0  }
0xd8: {  	[tilespmem:$0x184C0] =	vst v0  }
0xd9: {  	[tilespmem:$0x18540] =	vst v0  }
0xda: {  	[tilespmem:$0x185C0] =	vst v0  }
0xdb: {  	[tilespmem:$0x184D0] =	vst v0  }
0xdc: {  	[tilespmem:$0x18400] =	vst v3;
	v3 =	vld [tilespmem:$0x18F20]  }
0xdd: {  	[tilespmem:$0x18550] =	vst v0  }
0xde: {  	[tilespmem:$0x185D0] =	vst v0  }
0xdf: {  	[tilespmem:$0x184E0] =	vst v0  }
0xe0: {  	[tilespmem:$0x18560] =	vst v0  }
0xe1: {  	[tilespmem:$0x18420] =	vst v3;
	v3 =	vld [tilespmem:$0x18F40]  }
0xe2: {  	v60 =	vld [tilespmem:$0x18F10];
	[tilespmem:$0x185E0] =	vst v0  }
0xe3: {  	v61 =	vld [tilespmem:$0x18F30];
	[tilespmem:$0x184F0] =	vst v0  }
0xe4: {  	v62 =	vld [tilespmem:$0x18F50];
	[tilespmem:$0x18570] =	vst v0  }
0xe5: {  	v63 =	vld [tilespmem:$0x18F70];
	[tilespmem:$0x185F0] =	vst v0  }
0xe6: {  	[tilespmem:$0x18440] =	vst v3;
	v3 =	vld [tilespmem:$0x18F60]  }
0xe7: {  	[tilespmem:$0x18410] =	vst v60  }
0xe8: {  	[tilespmem:$0x18430] =	vst v61  }
0xe9: {  	[tilespmem:$0x18450] =	vst v62  }
0xea: {  	[tilespmem:$0x18470] =	vst v63  }
0xeb: {  	s30 =	simm.s32 $0x16600;
	[tilespmem:$0x18460] =	vst v3  }
0xec: {  	[spmem:s6] =	stream.linear.scatter [tilespmem:s30], [sflag:$0x5], $0x2000, $0x38;
	[tilespmem:$0x19180] =	vst v63  }
0xed: {  	_ =	swait.ge [sflag:s20], $0x2000  }
0xee: {  	[sflag:s20] =	ssyncset.done $0x0  }
0xef: {  	[sflag:s20] =	ssyncadd.s32 $0xFFFFE000  }
.LBB2_5:
0xf0: {  	_ =	swait.ge [sflag:s25], $0x2710  }
0xf1: {  	[sflag:s25] =	ssyncset.done $0x0  }
0xf2: {  	[sflag:s25] =	ssyncadd.s32 $0xFFFFD8F0  }
0xf3: {  	_ =	swait.ge [sflag:s25], $0x2710  }
0xf4: {  	[sflag:s25] =	ssyncset.done $0x0  }
0xf5: {  	[sflag:s25] =	ssyncadd.s32 $0xFFFFD8F0  }
0xf6: {  	_ =	swait.ge [sflag:s25], $0x2710  }
0xf7: {  	[sflag:s25] =	ssyncset.done $0x0  }
0xf8: {  	s9 =	simm.s32 $0x0;
	[sflag:s25] =	ssyncadd.s32 $0xFFFFD8F0  }
0xf9: {  	v7 =	vld [tilespmem:s9+$0x0]  }
0xfa: {  	v8 =	vld [tilespmem:s9+$0x2780]  }
0xfb: {  	v6 =	vld [tilespmem:s9+$0x4F00]  }
0xfc: {  	s10 =	simm.s32 $0x10  }
0xfd: {  	v3 =	vld [tilespmem:s10+$0x0]  }
0xfe: {  	vm0 =	vgt.s32 v7, $0x0  }
0xff: {  	v5 =	vnsel vm0, $0x0, v7;
	vm0 =	vgt.s32 v8, $0x0  }
0x100: {  	v4 =	vld [tilespmem:s10+$0x2780];
	v9 =	vmin.u32 v5, $0x4;
	v10 =	vnsel vm0, $0x0, v8;
	vm0 =	vgt.s32 v6, $0x0  }
0x101: {  	s11 =	simm.s32 $0x80;
	v5 =	vld [tilespmem:s10+$0x4F00];
	v8 =	vadd.s32 v7, v8;
	v7 =	vmul.u32 $0xC, v9;
	v9 =	vmin.u32 v10, $0x5  }
.LBB2_6:
0x102: {  	s12 =	sshra.s32 s11, $0x2;
	vm1 =	vgt.s32 v3, $0x0;
	v6 =	vadd.s32 v6, v8;
	v8 =	vshll.u32 v9, $0x1;
	v9 =	vmovc v3;
	p1 =	sne.s32 s11, $0x600  }
.Ltmp2:
0x103: {  	v11 =	vsel vm0, $0x1, v1;
	v3 =	vld [tilespmem:s12+$0x0];
	v7 =	vadd.s32 v7, v8;
	vm0 =	veq.s32 v6, $0xFFFFFFFD;
	(pc) =	sbr.rel @p1 .LBB2_6-.Ltmp2, $4  }
0x104: {  	s11 =	sadd.s32 $0x40, s11;
	v7 =	vor.u32 v11, v7;
	v10 =	vsel vm0, $0x3C, v2;
	vm0 =	vlt.s32 v6, $0x0  }
0x105: {  	v12 =	vnsel vm1, $0x0, v9;
	vm1 =	vgt.s32 v4, $0x0;
	v7 =	vsel vm0, v10, v7;
	v8 =	vmovc v4  }
0x106: {  	v10 =	vmin.u32 v12, $0x4;
	v4 =	vld [tilespmem:s12+$0x2780];
	v11 =	vnsel vm1, $0x0, v8;
	vm0 =	vgt.s32 v5, $0x0;
	[tilespmem:s9+$0x7680] =	vst v7;
	v6 =	vmovc v5;
	s9 =	smov.u32 s10;
	s10 =	smov.u32 s12  }
0x107: {  	v8 =	vadd.s32 v9, v8;
	v7 =	vmul.u32 $0xC, v10;
	v5 =	vld [tilespmem:s10+$0x4F00];
	v9 =	vmin.u32 v11, $0x5  }
0x108: {  	v6 =	vadd.s32 v6, v8;
	v8 =	vshll.u32 v9, $0x1  }
0x109: {  	v7 =	vadd.s32 v7, v8;
	v8 =	vsel vm0, $0x1, v1;
	vm0 =	veq.s32 v6, $0xFFFFFFFD  }
0x10a: {  	vm1 =	vgt.s32 v3, $0x0;
	v7 =	vor.u32 v8, v7;
	v8 =	vsel vm0, $0x3C, v2  }
0x10b: {  	vm0 =	vlt.s32 v6, $0x0;
	v6 =	vnsel vm1, $0x0, v3;
	vm1 =	vgt.s32 v4, $0x0  }
0x10c: {  	v7 =	vsel vm0, v8, v7;
	v6 =	vmin.u32 v6, $0x4;
	v8 =	vnsel vm1, $0x0, v4  }
0x10d: {  	v3 =	vadd.s32 v3, v4;
	v4 =	vmul.u32 $0xC, v6;
	v6 =	vmin.u32 v8, $0x5  }
0x10e: {  	vm0 =	vgt.s32 v5, $0x0;
	v3 =	vadd.s32 v5, v3;
	v5 =	vshll.u32 v6, $0x1  }
0x10f: {  	v4 =	vadd.s32 v4, v5;
	v5 =	vsel vm0, $0x1, v1;
	vm0 =	veq.s32 v3, $0xFFFFFFFD  }
0x110: {  	v4 =	vor.u32 v5, v4;
	v5 =	vsel vm0, $0x3C, v2;
	vm0 =	vlt.s32 v3, $0x0  }
0x111: {  	[tilespmem:s9+$0x7680] =	vst v7;
	v3 =	vsel vm0, v5, v4  }
0x112: {  	[tilespmem:s10+$0x7680] =	vst v3  }
0x113: {  	s14 =	simm.s32 $0x7680;
	[bflag:$0x0] =	sbarrier.arrive $0xFFFF  }
0x114: {  	[tilespmem:s29], [sflag:$0x1] =	stream.indirect.gather [spmem:s6], $0x80, s14, s26, $0xb8;
	[tilespmem:$0x19180] =	vst v63  }
0x115: {  	s15 =	simm.s32 $0x76A8  }
0x116: {  	[tilespmem:s31], [sflag:$0x1] =	stream.indirect.gather [spmem:s6], $0x80, s15, s26, $0xb8;
	[tilespmem:$0x19180] =	vst v63  }
0x117: {  	s18 =	simm.s32 $0x76D0  }
0x118: {  	[tilespmem:s0], [sflag:$0x1] =	stream.indirect.gather [spmem:s6], $0x80, s18, s26, $0xb8;
	[tilespmem:$0x19180] =	vst v63  }
0x119: {  	s30 =	simm.s32 $0x76F8  }
0x11a: {  	[tilespmem:s2], [sflag:$0x1] =	stream.indirect.gather [spmem:s6], $0x80, s30, s26, $0xb8;
	[tilespmem:$0x19180] =	vst v63  }
0x11b: {  	s10 =	simm.s32 $0x7720  }
0x11c: {  	[tilespmem:s19], [sflag:$0x1] =	stream.indirect.gather [spmem:s6], $0x80, s10, s26, $0xb8;
	[tilespmem:$0x19180] =	vst v63  }
0x11d: {  	_ =	swait.ge [sflag:s21], $0x1400  }
0x11e: {  	[sflag:s21] =	ssyncset.done $0x0  }
0x11f: {  	[sflag:s21] =	ssyncadd.s32 $0xFFFFEC00  }
0x120: {  	_ =	swait.ge [sflag:s21], $0x1400  }
0x121: {  	[sflag:s21] =	ssyncset.done $0x0  }
0x122: {  	[sflag:s21] =	ssyncadd.s32 $0xFFFFEC00  }
0x123: {  	_ =	swait.ge [sflag:s21], $0x1400  }
0x124: {  	[sflag:s21] =	ssyncset.done $0x0  }
0x125: {  	[sflag:s21] =	ssyncadd.s32 $0xFFFFEC00  }
0x126: {  	_ =	swait.ge [sflag:s21], $0x1400  }
0x127: {  	[sflag:s21] =	ssyncset.done $0x0  }
0x128: {  	[sflag:s21] =	ssyncadd.s32 $0xFFFFEC00  }
0x129: {  	_ =	swait.ge [sflag:s21], $0x1400  }
0x12a: {  	[sflag:s21] =	ssyncset.done $0x0  }
0x12b: {  	s11 =	simm.s32 $0x7748;
	[sflag:s21] =	ssyncadd.s32 $0xFFFFEC00  }
0x12c: {  	[tilespmem:s23], [sflag:$0x2] =	stream.indirect.gather [spmem:s6], $0x80, s11, s26, $0xb8;
	[tilespmem:$0x19180] =	vst v63  }
0x12d: {  	s12 =	simm.s32 $0x7770  }
0x12e: {  	[tilespmem:s17], [sflag:$0x2] =	stream.indirect.gather [spmem:s6], $0x80, s12, s26, $0xb8;
	[tilespmem:$0x19180] =	vst v63  }
0x12f: {  	s13 =	simm.s32 $0x7798  }
0x130: {  	[tilespmem:s28], [sflag:$0x2] =	stream.indirect.gather [spmem:s6], $0x80, s13, s26, $0xb8;
	[tilespmem:$0x19180] =	vst v63  }
0x131: {  	s14 =	simm.s32 $0x77C0  }
0x132: {  	[tilespmem:s4], [sflag:$0x2] =	stream.indirect.gather [spmem:s6], $0x80, s14, s26, $0xb8;
	[tilespmem:$0x19180] =	vst v63  }
0x133: {  	s15 =	simm.s32 $0x77E8  }
0x134: {  	[tilespmem:s3], [sflag:$0x2] =	stream.indirect.gather [spmem:s6], $0x80, s15, s26, $0xb8;
	[tilespmem:$0x19180] =	vst v63  }
0x135: {  	s9 =	simm.s32 $0x0;
	s18 =	simm.s32 $0x0;
	s30 =	rddreg [dreg:$0xb]  }
0x136: {  	[hbm4b:s30+s18] =	stream.linear.scatter [tilespmem:s29], [sflag:$0x3], $0x6400, $0x38;
	[tilespmem:$0x19180] =	vst v63  }
0x137: {  	v7 =	vld [tilespmem:s9+$0x190]  }
0x138: {  	v8 =	vld [tilespmem:s9+$0x2910]  }
0x139: {  	v6 =	vld [tilespmem:s9+$0x5090]  }
0x13a: {  	s10 =	simm.s32 $0x10  }
0x13b: {  	v3 =	vld [tilespmem:s10+$0x190]  }
0x13c: {  	vm0 =	vgt.s32 v7, $0x0  }
0x13d: {  	v5 =	vnsel vm0, $0x0, v7;
	vm0 =	vgt.s32 v8, $0x0  }
0x13e: {  	v4 =	vld [tilespmem:s10+$0x2910];
	v9 =	vmin.u32 v5, $0x4;
	v10 =	vnsel vm0, $0x0, v8;
	vm0 =	vgt.s32 v6, $0x0  }
0x13f: {  	s11 =	simm.s32 $0x80;
	v5 =	vld [tilespmem:s10+$0x5090];
	v8 =	vadd.s32 v7, v8;
	v7 =	vmul.u32 $0xC, v9;
	v9 =	vmin.u32 v10, $0x5  }
.LBB2_8:
0x140: {  	s12 =	sshra.s32 s11, $0x2;
	vm1 =	vgt.s32 v3, $0x0;
	v6 =	vadd.s32 v6, v8;
	v8 =	vshll.u32 v9, $0x1;
	v9 =	vmovc v3;
	p1 =	sne.s32 s11, $0x600  }
.Ltmp3:
0x141: {  	v11 =	vsel vm0, $0x1, v1;
	v3 =	vld [tilespmem:s12+$0x190];
	v7 =	vadd.s32 v7, v8;
	vm0 =	veq.s32 v6, $0xFFFFFFFD;
	(pc) =	sbr.rel @p1 .LBB2_8-.Ltmp3, $4  }
0x142: {  	s11 =	sadd.s32 $0x40, s11;
	v7 =	vor.u32 v11, v7;
	v10 =	vsel vm0, $0x3C, v2;
	vm0 =	vlt.s32 v6, $0x0  }
0x143: {  	v12 =	vnsel vm1, $0x0, v9;
	vm1 =	vgt.s32 v4, $0x0;
	v7 =	vsel vm0, v10, v7;
	v8 =	vmovc v4  }
0x144: {  	v10 =	vmin.u32 v12, $0x4;
	v4 =	vld [tilespmem:s12+$0x2910];
	v11 =	vnsel vm1, $0x0, v8;
	vm0 =	vgt.s32 v5, $0x0;
	[tilespmem:s9+$0x7810] =	vst v7;
	v6 =	vmovc v5;
	s9 =	smov.u32 s10;
	s10 =	smov.u32 s12  }
0x145: {  	v8 =	vadd.s32 v9, v8;
	v7 =	vmul.u32 $0xC, v10;
	v5 =	vld [tilespmem:s10+$0x5090];
	v9 =	vmin.u32 v11, $0x5  }
0x146: {  	v6 =	vadd.s32 v6, v8;
	v54 =	vshll.u32 v9, $0x1  }
0x147: {  	v55 =	vsel vm0, $0x1, v1;
	vm1 =	vgt.s32 v3, $0x0;
	v7 =	vadd.s32 v7, v54  }
0x148: {  	vm10 =	veq.s32 v6, $0xFFFFFFFD;
	vm11 =	vlt.s32 v6, $0x0;
	v57 =	vnsel vm1, $0x0, v3  }
0x149: {  	v7 =	vor.u32 v55, v7;
	v56 =	vsel vm10, $0x3C, v2;
	vm12 =	vgt.s32 v4, $0x0  }
0x14a: {  	v6 =	vmin.u32 v57, $0x4;
	v7 =	vsel vm11, v56, v7;
	v58 =	vnsel vm12, $0x0, v4  }
0x14b: {  	v3 =	vadd.s32 v3, v4;
	v59 =	vmul.u32 $0xC, v6;
	v60 =	vmin.u32 v58, $0x5  }
0x14c: {  	vm13 =	vgt.s32 v5, $0x0;
	v3 =	vadd.s32 v5, v3;
	v61 =	vshll.u32 v60, $0x1  }
0x14d: {  	v62 =	vsel vm13, $0x1, v1;
	vm14 =	veq.s32 v3, $0xFFFFFFFD;
	v4 =	vadd.s32 v59, v61  }
0x14e: {  	vm15 =	vlt.s32 v3, $0x0;
	v63 =	vsel vm14, $0x3C, v2;
	v4 =	vor.u32 v62, v4  }
0x14f: {  	[tilespmem:s9+$0x7810] =	vst v7;
	v3 =	vsel vm15, v63, v4  }
0x150: {  	[tilespmem:s10+$0x7810] =	vst v3  }
0x151: {  	_ =	swait.ge [sflag:s25], $0x6400  }
0x152: {  	[sflag:s25] =	ssyncset.done $0x0  }
0x153: {  	s12 =	simm.s32 $0x7810;
	[sflag:s25] =	ssyncadd.s32 $0xFFFF9C00  }
0x154: {  	[tilespmem:s29], [sflag:$0x1] =	stream.indirect.gather [spmem:s6], $0x80, s12, s26, $0xb8;
	[tilespmem:$0x19180] =	vst v63  }
0x155: {  	s13 =	simm.s32 $0x7838  }
0x156: {  	[tilespmem:s31], [sflag:$0x1] =	stream.indirect.gather [spmem:s6], $0x80, s13, s26, $0xb8;
	[tilespmem:$0x19180] =	vst v63  }
0x157: {  	s14 =	simm.s32 $0x7860  }
0x158: {  	[tilespmem:s0], [sflag:$0x1] =	stream.indirect.gather [spmem:s6], $0x80, s14, s26, $0xb8;
	[tilespmem:$0x19180] =	vst v63  }
0x159: {  	s15 =	simm.s32 $0x7888  }
0x15a: {  	[tilespmem:s2], [sflag:$0x1] =	stream.indirect.gather [spmem:s6], $0x80, s15, s26, $0xb8;
	[tilespmem:$0x19180] =	vst v63  }
0x15b: {  	s18 =	simm.s32 $0x78B0  }
0x15c: {  	[tilespmem:s19], [sflag:$0x1] =	stream.indirect.gather [spmem:s6], $0x80, s18, s26, $0xb8;
	[tilespmem:$0x19180] =	vst v63  }
0x15d: {  	_ =	swait.ge [sflag:s22], $0x1400  }
0x15e: {  	[sflag:s22] =	ssyncset.done $0x0  }
0x15f: {  	[sflag:s22] =	ssyncadd.s32 $0xFFFFEC00  }
0x160: {  	_ =	swait.ge [sflag:s22], $0x1400  }
0x161: {  	[sflag:s22] =	ssyncset.done $0x0  }
0x162: {  	[sflag:s22] =	ssyncadd.s32 $0xFFFFEC00  }
0x163: {  	_ =	swait.ge [sflag:s22], $0x1400  }
0x164: {  	[sflag:s22] =	ssyncset.done $0x0  }
0x165: {  	[sflag:s22] =	ssyncadd.s32 $0xFFFFEC00  }
0x166: {  	_ =	swait.ge [sflag:s22], $0x1400  }
0x167: {  	[sflag:s22] =	ssyncset.done $0x0  }
0x168: {  	[sflag:s22] =	ssyncadd.s32 $0xFFFFEC00  }
0x169: {  	s11 =	simm.s32 $0x2AA0;
	s9 =	simm.s32 $0x1;
	_ =	swait.ge [sflag:s22], $0x1400  }
0x16a: {  	s10 =	simm.s32 $0x320;
	s12 =	simm.s32 $0x5220;
	[sflag:s22] =	ssyncset.done $0x0  }
0x16b: {  	s18 =	simm.s32 $0x79A0;
	s30 =	rddreg [dreg:$0xc];
	[sflag:s22] =	ssyncadd.s32 $0xFFFFEC00  }
0x16c: {  	[hbm4b:s30+s7] =	stream.linear.scatter [tilespmem:s23], [sflag:$0x4], $0x6400, $0x38;
	[tilespmem:$0x19180] =	vst v63  }
.LBB2_10:
0x16d: {  	_ =	swait.ge [sflag:s21], $0x1400  }
0x16e: {  	[sflag:s21] =	ssyncset.done $0x0  }
0x16f: {  	[sflag:s21] =	ssyncadd.s32 $0xFFFFEC00  }
0x170: {  	_ =	swait.ge [sflag:s21], $0x1400  }
0x171: {  	[sflag:s21] =	ssyncset.done $0x0  }
0x172: {  	[sflag:s21] =	ssyncadd.s32 $0xFFFFEC00  }
0x173: {  	_ =	swait.ge [sflag:s21], $0x1400  }
0x174: {  	[sflag:s21] =	ssyncset.done $0x0  }
0x175: {  	[sflag:s21] =	ssyncadd.s32 $0xFFFFEC00  }
0x176: {  	_ =	swait.ge [sflag:s21], $0x1400  }
0x177: {  	[sflag:s21] =	ssyncset.done $0x0  }
0x178: {  	[sflag:s21] =	ssyncadd.s32 $0xFFFFEC00  }
0x179: {  	_ =	swait.ge [sflag:s21], $0x1400  }
0x17a: {  	[sflag:s21] =	ssyncset.done $0x0  }
0x17b: {  	[sflag:s21] =	ssyncadd.s32 $0xFFFFEC00  }
0x17c: {  	s13 =	smul.u32 $0x190, s9;
	_ =	swait.ge [sflag:s24], $0x6400  }
0x17d: {  	[sflag:s24] =	ssyncset.done $0x0  }
0x17e: {  	s14 =	sadd.s32 $0x7748, s13;
	[sflag:s24] =	ssyncadd.s32 $0xFFFF9C00  }
0x17f: {  	[tilespmem:s23], [sflag:$0x2] =	stream.indirect.gather [spmem:s6], $0x80, s14, s26, $0xb8;
	[tilespmem:$0x19180] =	vst v63  }
0x180: {  	s15 =	sadd.s32 $0x7770, s13  }
0x181: {  	[tilespmem:s17], [sflag:$0x2] =	stream.indirect.gather [spmem:s6], $0x80, s15, s26, $0xb8;
	[tilespmem:$0x19180] =	vst v63  }
0x182: {  	s15 =	sadd.s32 $0x7798, s13  }
0x183: {  	[tilespmem:s28], [sflag:$0x2] =	stream.indirect.gather [spmem:s6], $0x80, s15, s26, $0xb8;
	[tilespmem:$0x19180] =	vst v63  }
0x184: {  	s15 =	sadd.s32 $0x77C0, s13  }
0x185: {  	[tilespmem:s4], [sflag:$0x2] =	stream.indirect.gather [spmem:s6], $0x80, s15, s26, $0xb8;
	[tilespmem:$0x19180] =	vst v63  }
0x186: {  	s14 =	sadd.s32 s8, s13;
	s15 =	sadd.s32 $0x77E8, s13  }
0x187: {  	v4 =	vmov s10;
	[tilespmem:s3], [sflag:$0x2] =	stream.indirect.gather [spmem:s6], $0x80, s15, s26, $0xb8;
	[tilespmem:$0x19180] =	vst v63  }
0x188: {  	v5 =	vmov s11;
	s15 =	sshll.u32 s14, $0x4  }
0x189: {  	s30 =	simm.s32 $0x0;
	s9 =	sadd.s32 $0x1, s9;
	s15 =	sadd.s32 s5, s15  }
0x18a: {  	[hbm4b:s15+s30] =	stream.linear.scatter [tilespmem:s29], [sflag:$0x3], $0x6400, $0x38;
	[tilespmem:$0x19180] =	vst v63  }
0x18b: {  	v6 =	vmov s12;
	v3 =	vmov s18;
	s14 =	sadd.s32 $0xC8, s14;
	s30 =	simm.s32 $0x0;
	s15 =	simm.s32 $0x40  }
.LBB2_11:
0x18c: {  	p1 =	sne.s32 s15, $0x600;
	v7 =	vld.idx.msk [tilespmem:v4+s30+$0x0 ss:$0x1], $0xffff  }
0x18d: {  	v8 =	vld.idx.msk [tilespmem:v5+s30+$0x0 ss:$0x1], $0xffff;
	_ =	sdelay $0x2  }
0x18e: {  	v9 =	vld.idx.msk [tilespmem:v6+s30+$0x0 ss:$0x1], $0xffff;
	_ =	sdelay $0x1  }
0x18f: {  	vm0 =	vgt.s32 v7, $0x0  }
0x190: {  	v10 =	vnsel vm0, $0x0, v7;
	vm0 =	vgt.s32 v8, $0x0  }
0x191: {  	v10 =	vmin.u32 v10, $0x4;
	v11 =	vnsel vm0, $0x0, v8  }
0x192: {  	v7 =	vadd.s32 v7, v8;
	v8 =	vmul.u32 $0xC, v10;
	v10 =	vmin.u32 v11, $0x5  }
.Ltmp4:
0x193: {  	v7 =	vadd.s32 v9, v7;
	v10 =	vshll.u32 v10, $0x1;
	vm0 =	vgt.s32 v9, $0x0;
	(pc) =	sbr.rel @p1 .LBB2_11-.Ltmp4, $4  }
0x194: {  	v8 =	vadd.s32 v8, v10;
	v9 =	vsel vm0, $0x1, v1;
	vm0 =	veq.s32 v7, $0xFFFFFFFD  }
0x195: {  	v8 =	vor.u32 v9, v8;
	v9 =	vsel vm0, $0x3C, v2;
	vm0 =	vlt.s32 v7, $0x0  }
0x196: {  	v7 =	vsel vm0, v9, v8  }
0x197: {  	[tilespmem:v3+s30+$0x0 ss:$0x1] =	vst.idx.msk $0xffff, v7;
	s30 =	sshra.s32 s15, $0x2;
	s15 =	sadd.s32 $0x40, s15  }
0x198: {  	_ =	sdelay $0x3  }
0x199: {  	v4 =	vld.idx.msk [tilespmem:v4+s30+$0x0 ss:$0x1], $0xffff  }
0x19a: {  	v5 =	vld.idx.msk [tilespmem:v5+s30+$0x0 ss:$0x1], $0xffff;
	_ =	sdelay $0x2  }
0x19b: {  	v6 =	vld.idx.msk [tilespmem:v6+s30+$0x0 ss:$0x1], $0xffff  }
0x19c: {  	vm0 =	vgt.s32 v4, $0x0  }
0x19d: {  	vm12 =	vgt.s32 v5, $0x0;
	v7 =	vnsel vm0, $0x0, v4  }
0x19e: {  	v8 =	vnsel vm12, $0x0, v5;
	v7 =	vmin.u32 v7, $0x4  }
0x19f: {  	v4 =	vadd.s32 v4, v5;
	v62 =	vmin.u32 v8, $0x5;
	v61 =	vmul.u32 $0xC, v7  }
0x1a0: {  	vm13 =	vgt.s32 v6, $0x0;
	v4 =	vadd.s32 v6, v4;
	v7 =	vshll.u32 v62, $0x1  }
0x1a1: {  	v6 =	vsel vm13, $0x1, v1;
	vm14 =	veq.s32 v4, $0xFFFFFFFD;
	v5 =	vadd.s32 v61, v7  }
0x1a2: {  	vm15 =	vlt.s32 v4, $0x0;
	v63 =	vsel vm14, $0x3C, v2;
	v5 =	vor.u32 v6, v5  }
0x1a3: {  	v4 =	vsel vm15, v63, v5  }
0x1a4: {  	[tilespmem:v3+s30+$0x0 ss:$0x1] =	vst.idx.msk $0xffff, v4  }
0x1a5: {  	_ =	swait.ge [sflag:s25], $0x6400  }
0x1a6: {  	[sflag:s25] =	ssyncset.done $0x0  }
0x1a7: {  	s15 =	sadd.s32 $0x7810, s13;
	[sflag:s25] =	ssyncadd.s32 $0xFFFF9C00  }
0x1a8: {  	[tilespmem:s29], [sflag:$0x1] =	stream.indirect.gather [spmem:s6], $0x80, s15, s26, $0xb8;
	[tilespmem:$0x19180] =	vst v63  }
0x1a9: {  	s30 =	sadd.s32 $0x7838, s13  }
0x1aa: {  	[tilespmem:s31], [sflag:$0x1] =	stream.indirect.gather [spmem:s6], $0x80, s30, s26, $0xb8;
	[tilespmem:$0x19180] =	vst v63  }
0x1ab: {  	s30 =	sadd.s32 $0x7860, s13  }
0x1ac: {  	[tilespmem:s0], [sflag:$0x1] =	stream.indirect.gather [spmem:s6], $0x80, s30, s26, $0xb8;
	[tilespmem:$0x19180] =	vst v63  }
0x1ad: {  	s30 =	sadd.s32 $0x7888, s13  }
0x1ae: {  	[tilespmem:s2], [sflag:$0x1] =	stream.indirect.gather [spmem:s6], $0x80, s30, s26, $0xb8;
	[tilespmem:$0x19180] =	vst v63  }
0x1af: {  	s15 =	sadd.s32 $0x78B0, s13  }
0x1b0: {  	[tilespmem:s19], [sflag:$0x1] =	stream.indirect.gather [spmem:s6], $0x80, s15, s26, $0xb8;
	[tilespmem:$0x19180] =	vst v63  }
0x1b1: {  	_ =	swait.ge [sflag:s22], $0x1400  }
0x1b2: {  	[sflag:s22] =	ssyncset.done $0x0  }
0x1b3: {  	[sflag:s22] =	ssyncadd.s32 $0xFFFFEC00  }
0x1b4: {  	_ =	swait.ge [sflag:s22], $0x1400  }
0x1b5: {  	[sflag:s22] =	ssyncset.done $0x0  }
0x1b6: {  	[sflag:s22] =	ssyncadd.s32 $0xFFFFEC00  }
0x1b7: {  	_ =	swait.ge [sflag:s22], $0x1400  }
0x1b8: {  	[sflag:s22] =	ssyncset.done $0x0  }
0x1b9: {  	[sflag:s22] =	ssyncadd.s32 $0xFFFFEC00  }
0x1ba: {  	_ =	swait.ge [sflag:s22], $0x1400  }
0x1bb: {  	p1 =	sne.s32 s9, $0x18;
	[sflag:s22] =	ssyncset.done $0x0  }
.Ltmp5:
0x1bc: {  	[sflag:s22] =	ssyncadd.s32 $0xFFFFEC00;
	(pc) =	sbr.rel @p1 .LBB2_10-.Ltmp5, $4  }
0x1bd: {  	s10 =	sadd.s32 $0x190, s10;
	s11 =	sadd.s32 $0x190, s11;
	_ =	swait.ge [sflag:s22], $0x1400  }
0x1be: {  	s12 =	sadd.s32 $0x190, s12;
	s30 =	sshll.u32 s14, $0x4;
	[sflag:s22] =	ssyncset.done $0x0  }
0x1bf: {  	s18 =	sadd.s32 $0x190, s18;
	s13 =	sadd.s32 s5, s30;
	[sflag:s22] =	ssyncadd.s32 $0xFFFFEC00  }
0x1c0: {  	[hbm4b:s13+s7] =	stream.linear.scatter [tilespmem:s23], [sflag:$0x4], $0x6400, $0x38;
	[tilespmem:$0x19180] =	vst v63  }
0x1c1: {  	_ =	swait.ge [sflag:s21], $0x1400  }
0x1c2: {  	[sflag:s21] =	ssyncset.done $0x0  }
0x1c3: {  	[sflag:s21] =	ssyncadd.s32 $0xFFFFEC00  }
0x1c4: {  	_ =	swait.ge [sflag:s21], $0x1400  }
0x1c5: {  	[sflag:s21] =	ssyncset.done $0x0  }
0x1c6: {  	[sflag:s21] =	ssyncadd.s32 $0xFFFFEC00  }
0x1c7: {  	_ =	swait.ge [sflag:s21], $0x1400  }
0x1c8: {  	[sflag:s21] =	ssyncset.done $0x0  }
0x1c9: {  	[sflag:s21] =	ssyncadd.s32 $0xFFFFEC00  }
0x1ca: {  	_ =	swait.ge [sflag:s21], $0x1400  }
0x1cb: {  	[sflag:s21] =	ssyncset.done $0x0  }
0x1cc: {  	[sflag:s21] =	ssyncadd.s32 $0xFFFFEC00  }
0x1cd: {  	_ =	swait.ge [sflag:s21], $0x1400  }
0x1ce: {  	[sflag:s21] =	ssyncset.done $0x0  }
0x1cf: {  	[sflag:s21] =	ssyncadd.s32 $0xFFFFEC00  }
0x1d0: {  	_ =	swait.ge [sflag:s24], $0x6400  }
0x1d1: {  	[sflag:s24] =	ssyncset.done $0x0  }
0x1d2: {  	s9 =	simm.s32 $0x9CC8;
	[sflag:s24] =	ssyncadd.s32 $0xFFFF9C00  }
0x1d3: {  	[tilespmem:s23], [sflag:$0x2] =	stream.indirect.gather [spmem:s6], $0x80, s9, s26, $0xb8;
	[tilespmem:$0x19180] =	vst v63  }
0x1d4: {  	s12 =	simm.s32 $0x9CF0  }
0x1d5: {  	[tilespmem:s17], [sflag:$0x2] =	stream.indirect.gather [spmem:s6], $0x80, s12, s26, $0xb8;
	[tilespmem:$0x19180] =	vst v63  }
0x1d6: {  	s13 =	simm.s32 $0x9D18  }
0x1d7: {  	[tilespmem:s28], [sflag:$0x2] =	stream.indirect.gather [spmem:s6], $0x80, s13, s26, $0xb8;
	[tilespmem:$0x19180] =	vst v63  }
0x1d8: {  	s14 =	simm.s32 $0x9D40  }
0x1d9: {  	[tilespmem:s4], [sflag:$0x2] =	stream.indirect.gather [spmem:s6], $0x80, s14, s26, $0xb8;
	[tilespmem:$0x19180] =	vst v63  }
0x1da: {  	s15 =	simm.s32 $0x9D68  }
0x1db: {  	[tilespmem:s3], [sflag:$0x2] =	stream.indirect.gather [spmem:s6], $0x80, s15, s26, $0xb8;
	[tilespmem:$0x19180] =	vst v63  }
0x1dc: {  	s18 =	rddreg [dreg:$0xd]  }
0x1dd: {  	[hbm4b:s18+s7] =	stream.linear.scatter [tilespmem:s29], [sflag:$0x3], $0x6400, $0x38;
	[tilespmem:$0x19180] =	vst v63  }
0x1de: {  	_ =	swait.ge [sflag:s25], $0x6400  }
0x1df: {  	[sflag:s25] =	ssyncset.done $0x0  }
0x1e0: {  	[sflag:s25] =	ssyncadd.s32 $0xFFFF9C00  }
0x1e1: {  	_ =	swait.ge [sflag:s22], $0x1400  }
0x1e2: {  	[sflag:s22] =	ssyncset.done $0x0  }
0x1e3: {  	[sflag:s22] =	ssyncadd.s32 $0xFFFFEC00  }
0x1e4: {  	_ =	swait.ge [sflag:s22], $0x1400  }
0x1e5: {  	[sflag:s22] =	ssyncset.done $0x0  }
0x1e6: {  	[sflag:s22] =	ssyncadd.s32 $0xFFFFEC00  }
0x1e7: {  	_ =	swait.ge [sflag:s22], $0x1400  }
0x1e8: {  	[sflag:s22] =	ssyncset.done $0x0  }
0x1e9: {  	[sflag:s22] =	ssyncadd.s32 $0xFFFFEC00  }
0x1ea: {  	_ =	swait.ge [sflag:s22], $0x1400  }
0x1eb: {  	[sflag:s22] =	ssyncset.done $0x0  }
0x1ec: {  	[sflag:s22] =	ssyncadd.s32 $0xFFFFEC00  }
0x1ed: {  	s1 =	sadd.s32 $0x1, s1;
	_ =	swait.ge [sflag:s22], $0x1400  }
0x1ee: {  	p1 =	sne.s32 s1, s16;
	[sflag:s22] =	ssyncset.done $0x0  }
.Ltmp6:
0x1ef: {  	s30 =	rddreg [dreg:$0xe];
	[sflag:s22] =	ssyncadd.s32 $0xFFFFEC00;
	(pc) =	sbr.rel @p1 .LBB2_1-.Ltmp6, $4  }
0x1f0: {  	[hbm4b:s30+s7] =	stream.linear.scatter [tilespmem:s23], [sflag:$0x4], $0x6400, $0x38;
	[tilespmem:$0x19180] =	vst v63  }
0x1f1: {  	_ =	swait.ge [sflag:s24], $0x6400  }
0x1f2: {  	[sflag:s24] =	ssyncset.done $0x0  }
0x1f3: {  	[sflag:s24] =	ssyncadd.s32 $0xFFFF9C00  }
0x1f4: {  	_ =	sfence.sel $0x180000  }
0x1f5: {  	[bflag:$0x0] =	sbarrier.arrive $0xFFFF  }
0x1f6: {  	_ =	strace $0x90000047  }
0x1f7: {  	[bflag:$0x2] =	sbarrier.arrive $0xFFFF  }
0x1f8: {  	s0 =	rddreg [dreg:$0x7]  }
0x1f9: {  	s0 =	sadd.s32 @!p0 $0x100000, s0  }
0x1fa: {  	[sflag:s0] =	ssyncadd.tile.s32 @!p0 $0x1;
	_ =	shalt  }
.Lfunc_end2:
_tile_overlayer_lowered:
.L_overlay_start_2:
0x1fb: {  	(tag) =	ssettag $0x2  }
0x1fc: {  	s0 =	rddreg [dreg:$0x0];
	s2 =	stileid.u32  }
0x1fd: {  	s1 =	rddreg [dreg:$0x1];
	p0 =	sne.s32 s2, $0x0  }
0x1fe: {  	s3 =	rddreg [dreg:$0x2];
	[bflag:$0x3] =	sbarrier.arrive $0xFFFF;
	s2 =	simm.s32 @!p0 $0x1C05  }
0x1ff: {  	[timem:s3], [sflag:s2] =	dma.local @!p0 [hbm:s0], s1  }
0x200: {  	s0 =	simm.s32 @!p0 $0x5  }
0x201: {  	_ =	swait.ge @!p0 [sflag:s0], s1  }
0x202: {  	s1 =	ssub.s32 @!p0 $0x0, s1;
	[sflag:s0] =	ssyncset.done @!p0 $0x0  }
0x203: {  	[sflag:s0] =	ssyncadd.s32 @!p0 s1  }
0x204: {  	[bflag:$0x3] =	sbarrier.arrive $0xFFFF  }
0x205: {  	_ =	shalt  }

</sc_bundles>
